<compile_context>
chip_gen: v7x
topology: tpu7x:2x2x1
jax: 0.10.2.dev20260603
libtpu: 0.0.44.dev20260713+nightly
codegen_flags: <defaults>
</compile_context>

<pallas_src>
import functools

import jax
import jax.numpy as jnp
from jax import lax
from jax.experimental import pallas as pl
from jax.experimental.pallas import tpu as pltpu
from jax.experimental.pallas import tpu_sc as plsc

N = 16384
C = 512
NW = 32
N_SC = 7168
ROWS_PER_W = N_SC // NW
CHUNK = 16
NCHUNK = ROWS_PER_W // CHUNK
TBL = 64 * 64
TC_BLK = 512


def _body(x_hbm, lw_hbm, rtau_hbm, out_hbm,
          lw_v, rtau_v, tab_v, red_v, xbuf0, xbuf1, out_v, sem0, sem1):
    nc = 2
    wid = lax.axis_index("s") * nc + lax.axis_index("c")
    row0 = wid * ROWS_PER_W

    pltpu.sync_copy(lw_hbm, lw_v)
    pltpu.sync_copy(rtau_hbm, rtau_v)
    rtau = rtau_v[...]

    lane = lax.iota(jnp.int32, 16)
    lane17 = lane * 17
    splats = [jnp.full((16,), k, jnp.int32) for k in range(16)]

    @pl.loop(0, TBL // 16)
    def _build(i):
        base = i * 16
        idx = base + lane
        a = idx >> 6
        b = idx & 63
        d = (a - b) & 127
        lw = plsc.load_gather(lw_v, [d])
        t = jnp.maximum(a, b).astype(jnp.float32)
        val = jnp.exp(lw - (2.0 - t) * rtau)
        for k in range(16):
            tab_v[pl.ds((base + k) * 16, 16)] = jnp.take(val, splats[k])

    def phase(ci, buf, sem):
        src = x_hbm.at[pl.ds(row0 + ci * CHUNK, CHUNK)]
        pltpu.make_async_copy(src, buf, sem).wait()

        @pl.loop(0, CHUNK)
        def _rows(r):

            @pl.loop(0, C // 16,
                     init_carry=jnp.zeros((16,), jnp.float32), unroll=8)
            def _inner(cc, acc):
                v0 = buf[r, 0, pl.ds(cc * 16, 16)]
                v1 = buf[r, 1, pl.ds(cc * 16, 16)]
                a = ((1.0 - v0) * 63.0).astype(jnp.int32)
                b = ((1.0 - v1) * 63.0).astype(jnp.int32)
                j = ((a << 10) | (b << 4)) | lane
                return acc + plsc.load_gather(tab_v, [j])

            red_v[pl.ds(r * 17, 16)] = _inner

        tot = jnp.zeros((16,), jnp.float32)
        for l in range(16):
            tot = tot + plsc.load_gather(red_v, [lane17 + l])
        out_v[pl.ds(ci * CHUNK, 16)] = tot

        @pl.when(ci + 2 < NCHUNK)
        def _():
            nsrc = x_hbm.at[pl.ds(row0 + (ci + 2) * CHUNK, CHUNK)]
            pltpu.async_copy(nsrc, buf, sem)

    pltpu.async_copy(x_hbm.at[pl.ds(row0, CHUNK)], xbuf0, sem0)
    pltpu.async_copy(x_hbm.at[pl.ds(row0 + CHUNK, CHUNK)], xbuf1, sem1)

    @pl.loop(0, NCHUNK, step=2)
    def _chunks(i):
        phase(i, xbuf0, sem0)
        phase(i + 1, xbuf1, sem1)

    pltpu.sync_copy(out_v, out_hbm.at[pl.ds(row0, ROWS_PER_W)])


def _tc_body(lw_ref, rt_ref, x_ref, o_ref):
    v = x_ref[...]
    xt = ((1.0 - v) * 63.0).astype(jnp.int32)
    a = xt[:, 0, :]
    b = xt[:, 1, :]
    t = jnp.maximum(a, b).astype(jnp.float32)
    d = (a - b) & 127
    lw = jnp.take_along_axis(
        jnp.broadcast_to(lw_ref[0], (TC_BLK, 128)), d, axis=1)
    cur = jnp.exp(lw - (2.0 - t) * rt_ref[0])
    o_ref[...] = jnp.sum(cur, axis=-1, keepdims=True)


@jax.jit
def kernel(x, log_w, tau_s):
    mesh = plsc.VectorSubcoreMesh(core_axis_name="c", subcore_axis_name="s")
    run = functools.partial(
        pl.kernel,
        mesh=mesh,
        compiler_params=pltpu.CompilerParams(needs_layout_passes=False),
        out_type=jax.ShapeDtypeStruct((N_SC,), jnp.float32),
        scratch_types=[
            pltpu.VMEM((128,), jnp.float32),
            pltpu.VMEM((16,), jnp.float32),
            pltpu.VMEM((TBL * 16,), jnp.float32),
            pltpu.VMEM((CHUNK * 17,), jnp.float32),
            pltpu.VMEM((CHUNK, 2, C), jnp.float32),
            pltpu.VMEM((CHUNK, 2, C), jnp.float32),
            pltpu.VMEM((ROWS_PER_W,), jnp.float32),
            pltpu.SemaphoreType.DMA,
            pltpu.SemaphoreType.DMA,
        ],
    )(_body)
    rtau = jnp.full((16,), 1.0, jnp.float32) / tau_s
    out_sc = run(x, log_w, rtau)

    out_tc = pl.pallas_call(
        _tc_body,
        grid=((N - N_SC) // TC_BLK,),
        in_specs=[
            pl.BlockSpec((1, 128), lambda i: (0, 0)),
            pl.BlockSpec((16,), lambda i: (0,)),
            pl.BlockSpec((TC_BLK, 2, C), lambda i: (N_SC // TC_BLK + i, 0, 0)),
        ],
        out_specs=pl.BlockSpec((TC_BLK, 1), lambda i: (i, 0)),
        out_shape=jax.ShapeDtypeStruct((N - N_SC, 1), jnp.float32),
    )(log_w.reshape(1, 128), rtau, x)

    return jnp.concatenate([out_sc.reshape(N_SC, 1), out_tc], axis=0)

# --- scband reference (transcript-rebuilt; emitter-appended) ---
"""Pipeline reference for scband-abstract-l2-net-5660766896816 (READ-ONLY COPY).

The authoritative reference and input builder live on the scoring server;
editing this copy changes nothing except your own understanding.
"""

import jax, jax.numpy as jnp
import numpy as np

TIME_STEPS = 64
JEFFRESS_RADIUS = 64
JEFFRESS_COMPRESSION = 1
INPUT_WINDOW = (0.0, 1.0)
OUTPUT_WINDOW = (1.0, 2.0)
J_OUT_SHAPE = 2 * ((JEFFRESS_RADIUS - 1) // JEFFRESS_COMPRESSION + 1)  # 128


def setup_inputs(seed: int = 0) -> dict:
    key = jax.random.key(seed)
    kx, = jax.random.split(key, 1)
    x = jax.random.uniform(kx, (16384, 2, 512), dtype=jnp.float32)
    # learned parameters (match torch init: ones, 10.0)
    log_w = jnp.ones((J_OUT_SHAPE,), dtype=jnp.float32)
    tau_s = jnp.asarray(10.0, dtype=jnp.float32)
    return {"x": x, "log_w": log_w, "tau_s": tau_s}


def reference(x, log_w, tau_s):
    # x: [N, 2, C] in [0, 1]
    xt = (INPUT_WINDOW[1] - x) * (TIME_STEPS - 1)
    xt = jnp.floor(xt)
    diff = xt[..., 0, :] - xt[..., 1, :]
    diff = jnp.floor(diff)
    jeffress_spk_out_time = jnp.max(xt, axis=-2)
    # torch negative indexing wraps for idx in [-size, size-1]; emulate with mod
    idx = jnp.mod(diff.astype(jnp.int32), J_OUT_SHAPE)
    log_current = jnp.take(log_w, idx, axis=0)
    current = jnp.exp(log_current - (OUTPUT_WINDOW[1] - jeffress_spk_out_time) * (1.0 / tau_s))
    return jnp.sum(current, axis=-1, keepdims=True)

if __name__ == "__main__":
    import jax
    _d = setup_inputs()
    print(jax.jit(kernel)(*tuple(_d.values())))

</pallas_src>

<mosaic_0001>
#map = affine_map<(d0, d1) -> (0, 0, 0)>
#map1 = affine_map<(d0, d1) -> (0)>
module attributes {stable_mosaic.version = 14 : i64} {
  func.func @_body(%arg0: i32, %arg1: i32, %arg2: memref<16384x2x512xf32, #tpu.memory_space<hbm>>, %arg3: memref<128xf32, #tpu.memory_space<hbm>>, %arg4: memref<16xf32, #tpu.memory_space<hbm>>, %arg5: memref<7168xf32, #tpu.memory_space<hbm>>, %arg6: memref<128xf32, #tpu.memory_space<vmem>>, %arg7: memref<16xf32, #tpu.memory_space<vmem>>, %arg8: memref<65536xf32, #tpu.memory_space<vmem>>, %arg9: memref<272xf32, #tpu.memory_space<vmem>>, %arg10: memref<16x2x512xf32, #tpu.memory_space<vmem>>, %arg11: memref<16x2x512xf32, #tpu.memory_space<vmem>>, %arg12: memref<224xf32, #tpu.memory_space<vmem>>, %arg13: memref<!tpu.dma_semaphore, #tpu.memory_space<semaphore_mem>>, %arg14: memref<!tpu.dma_semaphore, #tpu.memory_space<semaphore_mem>>) attributes {dimension_semantics = [#tpu.dimension_semantics<core_parallel>, #tpu.dimension_semantics<subcore_parallel>], iteration_bounds = array<i64: 2, 16>, scalar_prefetch = 0 : i64, scratch_operands = 9 : i64, tpu.core_type = #tpu.core_type<sc_vector_subcore>, window_params = [{transform_indices = #map}, {transform_indices = #map1}, {transform_indices = #map1}, {transform_indices = #map1}]} {
    %mul3A = arith.constant 2 : i32
    %mul3A_0 = arith.muli %arg1, %mul3A : i32
    %add3A = arith.addi %mul3A_0, %arg0 : i32
    %mul3A_1 = arith.constant 224 : i32
    %mul3A_2 = arith.muli %add3A, %mul3A_1 : i32
    "tpu.region"() ({
      %run_scoped3A = tpu.sem_alloc : memref<!tpu.dma_semaphore, #tpu.memory_space<semaphore_mem>>
      tpu.enqueue_dma source(%arg3 : memref<128xf32, #tpu.memory_space<hbm>>) target(%arg6 : memref<128xf32, #tpu.memory_space<vmem>>) target_semaphore(%run_scoped3A : memref<!tpu.dma_semaphore, #tpu.memory_space<semaphore_mem>>)
      tpu.wait_dma2 semaphore(%run_scoped3A : memref<!tpu.dma_semaphore, #tpu.memory_space<semaphore_mem>>) src(%arg3 : memref<128xf32, #tpu.memory_space<hbm>>) dst(%arg6 : memref<128xf32, #tpu.memory_space<vmem>>)
      tpu.yield
    }) : () -> ()
    "tpu.region"() ({
      %run_scoped3A = tpu.sem_alloc : memref<!tpu.dma_semaphore, #tpu.memory_space<semaphore_mem>>
      tpu.enqueue_dma source(%arg4 : memref<16xf32, #tpu.memory_space<hbm>>) target(%arg7 : memref<16xf32, #tpu.memory_space<vmem>>) target_semaphore(%run_scoped3A : memref<!tpu.dma_semaphore, #tpu.memory_space<semaphore_mem>>)
      tpu.wait_dma2 semaphore(%run_scoped3A : memref<!tpu.dma_semaphore, #tpu.memory_space<semaphore_mem>>) src(%arg4 : memref<16xf32, #tpu.memory_space<hbm>>) dst(%arg7 : memref<16xf32, #tpu.memory_space<vmem>>)
      tpu.yield
    }) : () -> ()
    %get3A = arith.constant 0 : index
    %get3A_3 = tpu.vector_load %arg7[%get3A] {strides = array<i32>} : memref<16xf32, #tpu.memory_space<vmem>>, vector<16xf32>,
    %iota3A = tpu.iota {dimensions = array<i32: 0>} : vector<16xi32>
    %mul3A_4 = arith.constant 17 : i32
    %mul3A_5 = vector.broadcast %mul3A_4 : i32 to vector<16xi32>
    %mul3A_6 = arith.muli %iota3A, %mul3A_5 : vector<16xi32>
    %broadcast_in_dim3A = arith.constant 0 : i32
    %broadcast_in_dim3A_7 = vector.broadcast %broadcast_in_dim3A : i32 to vector<16xi32>
    %broadcast_in_dim3A_8 = arith.constant 1 : i32
    %broadcast_in_dim3A_9 = vector.broadcast %broadcast_in_dim3A_8 : i32 to vector<16xi32>
    %broadcast_in_dim3A_10 = arith.constant 2 : i32
    %broadcast_in_dim3A_11 = vector.broadcast %broadcast_in_dim3A_10 : i32 to vector<16xi32>
    %broadcast_in_dim3A_12 = arith.constant 3 : i32
    %broadcast_in_dim3A_13 = vector.broadcast %broadcast_in_dim3A_12 : i32 to vector<16xi32>
    %broadcast_in_dim3A_14 = arith.constant 4 : i32
    %broadcast_in_dim3A_15 = vector.broadcast %broadcast_in_dim3A_14 : i32 to vector<16xi32>
    %broadcast_in_dim3A_16 = arith.constant 5 : i32
    %broadcast_in_dim3A_17 = vector.broadcast %broadcast_in_dim3A_16 : i32 to vector<16xi32>
    %broadcast_in_dim3A_18 = arith.constant 6 : i32
    %broadcast_in_dim3A_19 = vector.broadcast %broadcast_in_dim3A_18 : i32 to vector<16xi32>
    %broadcast_in_dim3A_20 = arith.constant 7 : i32
    %broadcast_in_dim3A_21 = vector.broadcast %broadcast_in_dim3A_20 : i32 to vector<16xi32>
    %broadcast_in_dim3A_22 = arith.constant 8 : i32
    %broadcast_in_dim3A_23 = vector.broadcast %broadcast_in_dim3A_22 : i32 to vector<16xi32>
    %broadcast_in_dim3A_24 = arith.constant 9 : i32
    %broadcast_in_dim3A_25 = vector.broadcast %broadcast_in_dim3A_24 : i32 to vector<16xi32>
    %broadcast_in_dim3A_26 = arith.constant 10 : i32
    %broadcast_in_dim3A_27 = vector.broadcast %broadcast_in_dim3A_26 : i32 to vector<16xi32>
    %broadcast_in_dim3A_28 = arith.constant 11 : i32
    %broadcast_in_dim3A_29 = vector.broadcast %broadcast_in_dim3A_28 : i32 to vector<16xi32>
    %broadcast_in_dim3A_30 = arith.constant 12 : i32
    %broadcast_in_dim3A_31 = vector.broadcast %broadcast_in_dim3A_30 : i32 to vector<16xi32>
    %broadcast_in_dim3A_32 = arith.constant 13 : i32
    %broadcast_in_dim3A_33 = vector.broadcast %broadcast_in_dim3A_32 : i32 to vector<16xi32>
    %broadcast_in_dim3A_34 = arith.constant 14 : i32
    %broadcast_in_dim3A_35 = vector.broadcast %broadcast_in_dim3A_34 : i32 to vector<16xi32>
    %broadcast_in_dim3A_36 = arith.constant 15 : i32
    %broadcast_in_dim3A_37 = vector.broadcast %broadcast_in_dim3A_36 : i32 to vector<16xi32>
    %scan3A = arith.constant 0 : i32
    %scan3A_38 = arith.constant 256 : i32
    %scan3A_39 = arith.addi %scan3A, %scan3A_38 : i32
    %scan3A_40 = arith.constant 1 : i32
    scf.for %scan3A_60 = %scan3A to %scan3A_39 step %scan3A_40  : i32 {
      %mul3A_61 = arith.constant 1 : i32
      %mul3A_62 = arith.muli %scan3A_60, %mul3A_61 : i32
      %add3A_63 = arith.constant 0 : i32
      %add3A_64 = arith.addi %add3A_63, %mul3A_62 : i32
      %mul3A_65 = arith.constant 16 : i32
      %mul3A_66 = arith.muli %add3A_64, %mul3A_65 : i32
      %add3A_67 = vector.broadcast %mul3A_66 : i32 to vector<16xi32>
      %add3A_68 = arith.addi %add3A_67, %iota3A : vector<16xi32>
      %shift_right_arithmetic3A = arith.constant 6 : i32
      %shift_right_arithmetic3A_69 = vector.broadcast %shift_right_arithmetic3A : i32 to vector<16xi32>
      %shift_right_arithmetic3A_70 = arith.shrsi %add3A_68, %shift_right_arithmetic3A_69 : vector<16xi32>
      %and3A = arith.constant 63 : i32
      %and3A_71 = vector.broadcast %and3A : i32 to vector<16xi32>
      %and3A_72 = arith.andi %add3A_68, %and3A_71 : vector<16xi32>
      %sub3A = arith.subi %shift_right_arithmetic3A_70, %and3A_72 : vector<16xi32>
      %and3A_73 = arith.constant 127 : i32
      %and3A_74 = vector.broadcast %and3A_73 : i32 to vector<16xi32>
      %and3A_75 = arith.andi %sub3A, %and3A_74 : vector<16xi32>
      %gather3A = tpu.vector_load_idx %arg6[%and3A_75] : memref<128xf32, #tpu.memory_space<vmem>>[vector<16xi32>], vector<16xf32>,
      %max3A = arith.maxsi %shift_right_arithmetic3A_70, %and3A_72 : vector<16xi32>
      %convert_element_type3A = arith.sitofp %max3A : vector<16xi32> to vector<16xf32>
      %sub3A_76 = arith.constant 2.000000e+00 : f32
      %sub3A_77 = vector.broadcast %sub3A_76 : f32 to vector<16xf32>
      %sub3A_78 = arith.subf %sub3A_77, %convert_element_type3A : vector<16xf32>
      %mul3A_79 = arith.mulf %sub3A_78, %get3A_3 : vector<16xf32>
      %sub3A_80 = arith.subf %gather3A, %mul3A_79 : vector<16xf32>
      %exp3A = math.exp %sub3A_80 : vector<16xf32>
      %lt3A = arith.constant 0 : i32
      %lt3A_81 = vector.broadcast %lt3A : i32 to vector<16xi32>
      %lt3A_82 = arith.cmpi slt, %broadcast_in_dim3A_7, %lt3A_81 : vector<16xi32>
      %add3A_83 = arith.constant 16 : i32
      %add3A_84 = vector.broadcast %add3A_83 : i32 to vector<16xi32>
      %add3A_85 = arith.addi %broadcast_in_dim3A_7, %add3A_84 : vector<16xi32>
      %select_n3A = arith.select %lt3A_82, %add3A_85, %broadcast_in_dim3A_7 : vector<16xi1>, vector<16xi32>
      %broadcast_in_dim3A_86 = vector.shape_cast %select_n3A : vector<16xi32> to vector<16x1xi32>
      %gather3A_87 = vector.shape_cast %broadcast_in_dim3A_86 : vector<16x1xi32> to vector<16xi32>
      %gather3A_88 = tpu.dynamic_gather %exp3A[%gather3A_87] in [0] : vector<16xf32>, vector<16xi32> -> vector<16xf32>
      %add3A_89 = arith.constant 0 : i32
      %add3A_90 = arith.addi %mul3A_66, %add3A_89 : i32
      %mul3A_91 = arith.constant 16 : i32
      %mul3A_92 = arith.muli %add3A_90, %mul3A_91 : i32
      %swap3A = arith.index_cast %mul3A_92 : i32 to index
      %swap3A_93 = tpu.vector_load %arg8[%swap3A] {strides = array<i32>} : memref<65536xf32, #tpu.memory_space<vmem>>, vector<16xf32>,
      tpu.vector_store %arg8[%swap3A], %gather3A_88 {strides = array<i32>} : memref<65536xf32, #tpu.memory_space<vmem>>, vector<16xf32>,
      %lt3A_94 = arith.constant 0 : i32
      %lt3A_95 = vector.broadcast %lt3A_94 : i32 to vector<16xi32>
      %lt3A_96 = arith.cmpi slt, %broadcast_in_dim3A_9, %lt3A_95 : vector<16xi32>
      %add3A_97 = arith.constant 16 : i32
      %add3A_98 = vector.broadcast %add3A_97 : i32 to vector<16xi32>
      %add3A_99 = arith.addi %broadcast_in_dim3A_9, %add3A_98 : vector<16xi32>
      %select_n3A_100 = arith.select %lt3A_96, %add3A_99, %broadcast_in_dim3A_9 : vector<16xi1>, vector<16xi32>
      %broadcast_in_dim3A_101 = vector.shape_cast %select_n3A_100 : vector<16xi32> to vector<16x1xi32>
      %gather3A_102 = vector.shape_cast %broadcast_in_dim3A_101 : vector<16x1xi32> to vector<16xi32>
      %gather3A_103 = tpu.dynamic_gather %exp3A[%gather3A_102] in [0] : vector<16xf32>, vector<16xi32> -> vector<16xf32>
      %add3A_104 = arith.constant 1 : i32
      %add3A_105 = arith.addi %mul3A_66, %add3A_104 : i32
      %mul3A_106 = arith.constant 16 : i32
      %mul3A_107 = arith.muli %add3A_105, %mul3A_106 : i32
      %swap3A_108 = arith.index_cast %mul3A_107 : i32 to index
      %swap3A_109 = tpu.vector_load %arg8[%swap3A_108] {strides = array<i32>} : memref<65536xf32, #tpu.memory_space<vmem>>, vector<16xf32>,
      tpu.vector_store %arg8[%swap3A_108], %gather3A_103 {strides = array<i32>} : memref<65536xf32, #tpu.memory_space<vmem>>, vector<16xf32>,
      %lt3A_110 = arith.constant 0 : i32
      %lt3A_111 = vector.broadcast %lt3A_110 : i32 to vector<16xi32>
      %lt3A_112 = arith.cmpi slt, %broadcast_in_dim3A_11, %lt3A_111 : vector<16xi32>
      %add3A_113 = arith.constant 16 : i32
      %add3A_114 = vector.broadcast %add3A_113 : i32 to vector<16xi32>
      %add3A_115 = arith.addi %broadcast_in_dim3A_11, %add3A_114 : vector<16xi32>
      %select_n3A_116 = arith.select %lt3A_112, %add3A_115, %broadcast_in_dim3A_11 : vector<16xi1>, vector<16xi32>
      %broadcast_in_dim3A_117 = vector.shape_cast %select_n3A_116 : vector<16xi32> to vector<16x1xi32>
      %gather3A_118 = vector.shape_cast %broadcast_in_dim3A_117 : vector<16x1xi32> to vector<16xi32>
      %gather3A_119 = tpu.dynamic_gather %exp3A[%gather3A_118] in [0] : vector<16xf32>, vector<16xi32> -> vector<16xf32>
      %add3A_120 = arith.constant 2 : i32
      %add3A_121 = arith.addi %mul3A_66, %add3A_120 : i32
      %mul3A_122 = arith.constant 16 : i32
      %mul3A_123 = arith.muli %add3A_121, %mul3A_122 : i32
      %swap3A_124 = arith.index_cast %mul3A_123 : i32 to index
      %swap3A_125 = tpu.vector_load %arg8[%swap3A_124] {strides = array<i32>} : memref<65536xf32, #tpu.memory_space<vmem>>, vector<16xf32>,
      tpu.vector_store %arg8[%swap3A_124], %gather3A_119 {strides = array<i32>} : memref<65536xf32, #tpu.memory_space<vmem>>, vector<16xf32>,
      %lt3A_126 = arith.constant 0 : i32
      %lt3A_127 = vector.broadcast %lt3A_126 : i32 to vector<16xi32>
      %lt3A_128 = arith.cmpi slt, %broadcast_in_dim3A_13, %lt3A_127 : vector<16xi32>
      %add3A_129 = arith.constant 16 : i32
      %add3A_130 = vector.broadcast %add3A_129 : i32 to vector<16xi32>
      %add3A_131 = arith.addi %broadcast_in_dim3A_13, %add3A_130 : vector<16xi32>
      %select_n3A_132 = arith.select %lt3A_128, %add3A_131, %broadcast_in_dim3A_13 : vector<16xi1>, vector<16xi32>
      %broadcast_in_dim3A_133 = vector.shape_cast %select_n3A_132 : vector<16xi32> to vector<16x1xi32>
      %gather3A_134 = vector.shape_cast %broadcast_in_dim3A_133 : vector<16x1xi32> to vector<16xi32>
      %gather3A_135 = tpu.dynamic_gather %exp3A[%gather3A_134] in [0] : vector<16xf32>, vector<16xi32> -> vector<16xf32>
      %add3A_136 = arith.constant 3 : i32
      %add3A_137 = arith.addi %mul3A_66, %add3A_136 : i32
      %mul3A_138 = arith.constant 16 : i32
      %mul3A_139 = arith.muli %add3A_137, %mul3A_138 : i32
      %swap3A_140 = arith.index_cast %mul3A_139 : i32 to index
      %swap3A_141 = tpu.vector_load %arg8[%swap3A_140] {strides = array<i32>} : memref<65536xf32, #tpu.memory_space<vmem>>, vector<16xf32>,
      tpu.vector_store %arg8[%swap3A_140], %gather3A_135 {strides = array<i32>} : memref<65536xf32, #tpu.memory_space<vmem>>, vector<16xf32>,
      %lt3A_142 = arith.constant 0 : i32
      %lt3A_143 = vector.broadcast %lt3A_142 : i32 to vector<16xi32>
      %lt3A_144 = arith.cmpi slt, %broadcast_in_dim3A_15, %lt3A_143 : vector<16xi32>
      %add3A_145 = arith.constant 16 : i32
      %add3A_146 = vector.broadcast %add3A_145 : i32 to vector<16xi32>
      %add3A_147 = arith.addi %broadcast_in_dim3A_15, %add3A_146 : vector<16xi32>
      %select_n3A_148 = arith.select %lt3A_144, %add3A_147, %broadcast_in_dim3A_15 : vector<16xi1>, vector<16xi32>
      %broadcast_in_dim3A_149 = vector.shape_cast %select_n3A_148 : vector<16xi32> to vector<16x1xi32>
      %gather3A_150 = vector.shape_cast %broadcast_in_dim3A_149 : vector<16x1xi32> to vector<16xi32>
      %gather3A_151 = tpu.dynamic_gather %exp3A[%gather3A_150] in [0] : vector<16xf32>, vector<16xi32> -> vector<16xf32>
      %add3A_152 = arith.constant 4 : i32
      %add3A_153 = arith.addi %mul3A_66, %add3A_152 : i32
      %mul3A_154 = arith.constant 16 : i32
      %mul3A_155 = arith.muli %add3A_153, %mul3A_154 : i32
      %swap3A_156 = arith.index_cast %mul3A_155 : i32 to index
      %swap3A_157 = tpu.vector_load %arg8[%swap3A_156] {strides = array<i32>} : memref<65536xf32, #tpu.memory_space<vmem>>, vector<16xf32>,
      tpu.vector_store %arg8[%swap3A_156], %gather3A_151 {strides = array<i32>} : memref<65536xf32, #tpu.memory_space<vmem>>, vector<16xf32>,
      %lt3A_158 = arith.constant 0 : i32
      %lt3A_159 = vector.broadcast %lt3A_158 : i32 to vector<16xi32>
      %lt3A_160 = arith.cmpi slt, %broadcast_in_dim3A_17, %lt3A_159 : vector<16xi32>
      %add3A_161 = arith.constant 16 : i32
      %add3A_162 = vector.broadcast %add3A_161 : i32 to vector<16xi32>
      %add3A_163 = arith.addi %broadcast_in_dim3A_17, %add3A_162 : vector<16xi32>
      %select_n3A_164 = arith.select %lt3A_160, %add3A_163, %broadcast_in_dim3A_17 : vector<16xi1>, vector<16xi32>
      %broadcast_in_dim3A_165 = vector.shape_cast %select_n3A_164 : vector<16xi32> to vector<16x1xi32>
      %gather3A_166 = vector.shape_cast %broadcast_in_dim3A_165 : vector<16x1xi32> to vector<16xi32>
      %gather3A_167 = tpu.dynamic_gather %exp3A[%gather3A_166] in [0] : vector<16xf32>, vector<16xi32> -> vector<16xf32>
      %add3A_168 = arith.constant 5 : i32
      %add3A_169 = arith.addi %mul3A_66, %add3A_168 : i32
      %mul3A_170 = arith.constant 16 : i32
      %mul3A_171 = arith.muli %add3A_169, %mul3A_170 : i32
      %swap3A_172 = arith.index_cast %mul3A_171 : i32 to index
      %swap3A_173 = tpu.vector_load %arg8[%swap3A_172] {strides = array<i32>} : memref<65536xf32, #tpu.memory_space<vmem>>, vector<16xf32>,
      tpu.vector_store %arg8[%swap3A_172], %gather3A_167 {strides = array<i32>} : memref<65536xf32, #tpu.memory_space<vmem>>, vector<16xf32>,
      %lt3A_174 = arith.constant 0 : i32
      %lt3A_175 = vector.broadcast %lt3A_174 : i32 to vector<16xi32>
      %lt3A_176 = arith.cmpi slt, %broadcast_in_dim3A_19, %lt3A_175 : vector<16xi32>
      %add3A_177 = arith.constant 16 : i32
      %add3A_178 = vector.broadcast %add3A_177 : i32 to vector<16xi32>
      %add3A_179 = arith.addi %broadcast_in_dim3A_19, %add3A_178 : vector<16xi32>
      %select_n3A_180 = arith.select %lt3A_176, %add3A_179, %broadcast_in_dim3A_19 : vector<16xi1>, vector<16xi32>
      %broadcast_in_dim3A_181 = vector.shape_cast %select_n3A_180 : vector<16xi32> to vector<16x1xi32>
      %gather3A_182 = vector.shape_cast %broadcast_in_dim3A_181 : vector<16x1xi32> to vector<16xi32>
      %gather3A_183 = tpu.dynamic_gather %exp3A[%gather3A_182] in [0] : vector<16xf32>, vector<16xi32> -> vector<16xf32>
      %add3A_184 = arith.constant 6 : i32
      %add3A_185 = arith.addi %mul3A_66, %add3A_184 : i32
      %mul3A_186 = arith.constant 16 : i32
      %mul3A_187 = arith.muli %add3A_185, %mul3A_186 : i32
      %swap3A_188 = arith.index_cast %mul3A_187 : i32 to index
      %swap3A_189 = tpu.vector_load %arg8[%swap3A_188] {strides = array<i32>} : memref<65536xf32, #tpu.memory_space<vmem>>, vector<16xf32>,
      tpu.vector_store %arg8[%swap3A_188], %gather3A_183 {strides = array<i32>} : memref<65536xf32, #tpu.memory_space<vmem>>, vector<16xf32>,
      %lt3A_190 = arith.constant 0 : i32
      %lt3A_191 = vector.broadcast %lt3A_190 : i32 to vector<16xi32>
      %lt3A_192 = arith.cmpi slt, %broadcast_in_dim3A_21, %lt3A_191 : vector<16xi32>
      %add3A_193 = arith.constant 16 : i32
      %add3A_194 = vector.broadcast %add3A_193 : i32 to vector<16xi32>
      %add3A_195 = arith.addi %broadcast_in_dim3A_21, %add3A_194 : vector<16xi32>
      %select_n3A_196 = arith.select %lt3A_192, %add3A_195, %broadcast_in_dim3A_21 : vector<16xi1>, vector<16xi32>
      %broadcast_in_dim3A_197 = vector.shape_cast %select_n3A_196 : vector<16xi32> to vector<16x1xi32>
      %gather3A_198 = vector.shape_cast %broadcast_in_dim3A_197 : vector<16x1xi32> to vector<16xi32>
      %gather3A_199 = tpu.dynamic_gather %exp3A[%gather3A_198] in [0] : vector<16xf32>, vector<16xi32> -> vector<16xf32>
      %add3A_200 = arith.constant 7 : i32
      %add3A_201 = arith.addi %mul3A_66, %add3A_200 : i32
      %mul3A_202 = arith.constant 16 : i32
      %mul3A_203 = arith.muli %add3A_201, %mul3A_202 : i32
      %swap3A_204 = arith.index_cast %mul3A_203 : i32 to index
      %swap3A_205 = tpu.vector_load %arg8[%swap3A_204] {strides = array<i32>} : memref<65536xf32, #tpu.memory_space<vmem>>, vector<16xf32>,
      tpu.vector_store %arg8[%swap3A_204], %gather3A_199 {strides = array<i32>} : memref<65536xf32, #tpu.memory_space<vmem>>, vector<16xf32>,
      %lt3A_206 = arith.constant 0 : i32
      %lt3A_207 = vector.broadcast %lt3A_206 : i32 to vector<16xi32>
      %lt3A_208 = arith.cmpi slt, %broadcast_in_dim3A_23, %lt3A_207 : vector<16xi32>
      %add3A_209 = arith.constant 16 : i32
      %add3A_210 = vector.broadcast %add3A_209 : i32 to vector<16xi32>
      %add3A_211 = arith.addi %broadcast_in_dim3A_23, %add3A_210 : vector<16xi32>
      %select_n3A_212 = arith.select %lt3A_208, %add3A_211, %broadcast_in_dim3A_23 : vector<16xi1>, vector<16xi32>
      %broadcast_in_dim3A_213 = vector.shape_cast %select_n3A_212 : vector<16xi32> to vector<16x1xi32>
      %gather3A_214 = vector.shape_cast %broadcast_in_dim3A_213 : vector<16x1xi32> to vector<16xi32>
      %gather3A_215 = tpu.dynamic_gather %exp3A[%gather3A_214] in [0] : vector<16xf32>, vector<16xi32> -> vector<16xf32>
      %add3A_216 = arith.constant 8 : i32
      %add3A_217 = arith.addi %mul3A_66, %add3A_216 : i32
      %mul3A_218 = arith.constant 16 : i32
      %mul3A_219 = arith.muli %add3A_217, %mul3A_218 : i32
      %swap3A_220 = arith.index_cast %mul3A_219 : i32 to index
      %swap3A_221 = tpu.vector_load %arg8[%swap3A_220] {strides = array<i32>} : memref<65536xf32, #tpu.memory_space<vmem>>, vector<16xf32>,
      tpu.vector_store %arg8[%swap3A_220], %gather3A_215 {strides = array<i32>} : memref<65536xf32, #tpu.memory_space<vmem>>, vector<16xf32>,
      %lt3A_222 = arith.constant 0 : i32
      %lt3A_223 = vector.broadcast %lt3A_222 : i32 to vector<16xi32>
      %lt3A_224 = arith.cmpi slt, %broadcast_in_dim3A_25, %lt3A_223 : vector<16xi32>
      %add3A_225 = arith.constant 16 : i32
      %add3A_226 = vector.broadcast %add3A_225 : i32 to vector<16xi32>
      %add3A_227 = arith.addi %broadcast_in_dim3A_25, %add3A_226 : vector<16xi32>
      %select_n3A_228 = arith.select %lt3A_224, %add3A_227, %broadcast_in_dim3A_25 : vector<16xi1>, vector<16xi32>
      %broadcast_in_dim3A_229 = vector.shape_cast %select_n3A_228 : vector<16xi32> to vector<16x1xi32>
      %gather3A_230 = vector.shape_cast %broadcast_in_dim3A_229 : vector<16x1xi32> to vector<16xi32>
      %gather3A_231 = tpu.dynamic_gather %exp3A[%gather3A_230] in [0] : vector<16xf32>, vector<16xi32> -> vector<16xf32>
      %add3A_232 = arith.constant 9 : i32
      %add3A_233 = arith.addi %mul3A_66, %add3A_232 : i32
      %mul3A_234 = arith.constant 16 : i32
      %mul3A_235 = arith.muli %add3A_233, %mul3A_234 : i32
      %swap3A_236 = arith.index_cast %mul3A_235 : i32 to index
      %swap3A_237 = tpu.vector_load %arg8[%swap3A_236] {strides = array<i32>} : memref<65536xf32, #tpu.memory_space<vmem>>, vector<16xf32>,
      tpu.vector_store %arg8[%swap3A_236], %gather3A_231 {strides = array<i32>} : memref<65536xf32, #tpu.memory_space<vmem>>, vector<16xf32>,
      %lt3A_238 = arith.constant 0 : i32
      %lt3A_239 = vector.broadcast %lt3A_238 : i32 to vector<16xi32>
      %lt3A_240 = arith.cmpi slt, %broadcast_in_dim3A_27, %lt3A_239 : vector<16xi32>
      %add3A_241 = arith.constant 16 : i32
      %add3A_242 = vector.broadcast %add3A_241 : i32 to vector<16xi32>
      %add3A_243 = arith.addi %broadcast_in_dim3A_27, %add3A_242 : vector<16xi32>
      %select_n3A_244 = arith.select %lt3A_240, %add3A_243, %broadcast_in_dim3A_27 : vector<16xi1>, vector<16xi32>
      %broadcast_in_dim3A_245 = vector.shape_cast %select_n3A_244 : vector<16xi32> to vector<16x1xi32>
      %gather3A_246 = vector.shape_cast %broadcast_in_dim3A_245 : vector<16x1xi32> to vector<16xi32>
      %gather3A_247 = tpu.dynamic_gather %exp3A[%gather3A_246] in [0] : vector<16xf32>, vector<16xi32> -> vector<16xf32>
      %add3A_248 = arith.constant 10 : i32
      %add3A_249 = arith.addi %mul3A_66, %add3A_248 : i32
      %mul3A_250 = arith.constant 16 : i32
      %mul3A_251 = arith.muli %add3A_249, %mul3A_250 : i32
      %swap3A_252 = arith.index_cast %mul3A_251 : i32 to index
      %swap3A_253 = tpu.vector_load %arg8[%swap3A_252] {strides = array<i32>} : memref<65536xf32, #tpu.memory_space<vmem>>, vector<16xf32>,
      tpu.vector_store %arg8[%swap3A_252], %gather3A_247 {strides = array<i32>} : memref<65536xf32, #tpu.memory_space<vmem>>, vector<16xf32>,
      %lt3A_254 = arith.constant 0 : i32
      %lt3A_255 = vector.broadcast %lt3A_254 : i32 to vector<16xi32>
      %lt3A_256 = arith.cmpi slt, %broadcast_in_dim3A_29, %lt3A_255 : vector<16xi32>
      %add3A_257 = arith.constant 16 : i32
      %add3A_258 = vector.broadcast %add3A_257 : i32 to vector<16xi32>
      %add3A_259 = arith.addi %broadcast_in_dim3A_29, %add3A_258 : vector<16xi32>
      %select_n3A_260 = arith.select %lt3A_256, %add3A_259, %broadcast_in_dim3A_29 : vector<16xi1>, vector<16xi32>
      %broadcast_in_dim3A_261 = vector.shape_cast %select_n3A_260 : vector<16xi32> to vector<16x1xi32>
      %gather3A_262 = vector.shape_cast %broadcast_in_dim3A_261 : vector<16x1xi32> to vector<16xi32>
      %gather3A_263 = tpu.dynamic_gather %exp3A[%gather3A_262] in [0] : vector<16xf32>, vector<16xi32> -> vector<16xf32>
      %add3A_264 = arith.constant 11 : i32
      %add3A_265 = arith.addi %mul3A_66, %add3A_264 : i32
      %mul3A_266 = arith.constant 16 : i32
      %mul3A_267 = arith.muli %add3A_265, %mul3A_266 : i32
      %swap3A_268 = arith.index_cast %mul3A_267 : i32 to index
      %swap3A_269 = tpu.vector_load %arg8[%swap3A_268] {strides = array<i32>} : memref<65536xf32, #tpu.memory_space<vmem>>, vector<16xf32>,
      tpu.vector_store %arg8[%swap3A_268], %gather3A_263 {strides = array<i32>} : memref<65536xf32, #tpu.memory_space<vmem>>, vector<16xf32>,
      %lt3A_270 = arith.constant 0 : i32
      %lt3A_271 = vector.broadcast %lt3A_270 : i32 to vector<16xi32>
      %lt3A_272 = arith.cmpi slt, %broadcast_in_dim3A_31, %lt3A_271 : vector<16xi32>
      %add3A_273 = arith.constant 16 : i32
      %add3A_274 = vector.broadcast %add3A_273 : i32 to vector<16xi32>
      %add3A_275 = arith.addi %broadcast_in_dim3A_31, %add3A_274 : vector<16xi32>
      %select_n3A_276 = arith.select %lt3A_272, %add3A_275, %broadcast_in_dim3A_31 : vector<16xi1>, vector<16xi32>
      %broadcast_in_dim3A_277 = vector.shape_cast %select_n3A_276 : vector<16xi32> to vector<16x1xi32>
      %gather3A_278 = vector.shape_cast %broadcast_in_dim3A_277 : vector<16x1xi32> to vector<16xi32>
      %gather3A_279 = tpu.dynamic_gather %exp3A[%gather3A_278] in [0] : vector<16xf32>, vector<16xi32> -> vector<16xf32>
      %add3A_280 = arith.constant 12 : i32
      %add3A_281 = arith.addi %mul3A_66, %add3A_280 : i32
      %mul3A_282 = arith.constant 16 : i32
      %mul3A_283 = arith.muli %add3A_281, %mul3A_282 : i32
      %swap3A_284 = arith.index_cast %mul3A_283 : i32 to index
      %swap3A_285 = tpu.vector_load %arg8[%swap3A_284] {strides = array<i32>} : memref<65536xf32, #tpu.memory_space<vmem>>, vector<16xf32>,
      tpu.vector_store %arg8[%swap3A_284], %gather3A_279 {strides = array<i32>} : memref<65536xf32, #tpu.memory_space<vmem>>, vector<16xf32>,
      %lt3A_286 = arith.constant 0 : i32
      %lt3A_287 = vector.broadcast %lt3A_286 : i32 to vector<16xi32>
      %lt3A_288 = arith.cmpi slt, %broadcast_in_dim3A_33, %lt3A_287 : vector<16xi32>
      %add3A_289 = arith.constant 16 : i32
      %add3A_290 = vector.broadcast %add3A_289 : i32 to vector<16xi32>
      %add3A_291 = arith.addi %broadcast_in_dim3A_33, %add3A_290 : vector<16xi32>
      %select_n3A_292 = arith.select %lt3A_288, %add3A_291, %broadcast_in_dim3A_33 : vector<16xi1>, vector<16xi32>
      %broadcast_in_dim3A_293 = vector.shape_cast %select_n3A_292 : vector<16xi32> to vector<16x1xi32>
      %gather3A_294 = vector.shape_cast %broadcast_in_dim3A_293 : vector<16x1xi32> to vector<16xi32>
      %gather3A_295 = tpu.dynamic_gather %exp3A[%gather3A_294] in [0] : vector<16xf32>, vector<16xi32> -> vector<16xf32>
      %add3A_296 = arith.constant 13 : i32
      %add3A_297 = arith.addi %mul3A_66, %add3A_296 : i32
      %mul3A_298 = arith.constant 16 : i32
      %mul3A_299 = arith.muli %add3A_297, %mul3A_298 : i32
      %swap3A_300 = arith.index_cast %mul3A_299 : i32 to index
      %swap3A_301 = tpu.vector_load %arg8[%swap3A_300] {strides = array<i32>} : memref<65536xf32, #tpu.memory_space<vmem>>, vector<16xf32>,
      tpu.vector_store %arg8[%swap3A_300], %gather3A_295 {strides = array<i32>} : memref<65536xf32, #tpu.memory_space<vmem>>, vector<16xf32>,
      %lt3A_302 = arith.constant 0 : i32
      %lt3A_303 = vector.broadcast %lt3A_302 : i32 to vector<16xi32>
      %lt3A_304 = arith.cmpi slt, %broadcast_in_dim3A_35, %lt3A_303 : vector<16xi32>
      %add3A_305 = arith.constant 16 : i32
      %add3A_306 = vector.broadcast %add3A_305 : i32 to vector<16xi32>
      %add3A_307 = arith.addi %broadcast_in_dim3A_35, %add3A_306 : vector<16xi32>
      %select_n3A_308 = arith.select %lt3A_304, %add3A_307, %broadcast_in_dim3A_35 : vector<16xi1>, vector<16xi32>
      %broadcast_in_dim3A_309 = vector.shape_cast %select_n3A_308 : vector<16xi32> to vector<16x1xi32>
      %gather3A_310 = vector.shape_cast %broadcast_in_dim3A_309 : vector<16x1xi32> to vector<16xi32>
      %gather3A_311 = tpu.dynamic_gather %exp3A[%gather3A_310] in [0] : vector<16xf32>, vector<16xi32> -> vector<16xf32>
      %add3A_312 = arith.constant 14 : i32
      %add3A_313 = arith.addi %mul3A_66, %add3A_312 : i32
      %mul3A_314 = arith.constant 16 : i32
      %mul3A_315 = arith.muli %add3A_313, %mul3A_314 : i32
      %swap3A_316 = arith.index_cast %mul3A_315 : i32 to index
      %swap3A_317 = tpu.vector_load %arg8[%swap3A_316] {strides = array<i32>} : memref<65536xf32, #tpu.memory_space<vmem>>, vector<16xf32>,
      tpu.vector_store %arg8[%swap3A_316], %gather3A_311 {strides = array<i32>} : memref<65536xf32, #tpu.memory_space<vmem>>, vector<16xf32>,
      %lt3A_318 = arith.constant 0 : i32
      %lt3A_319 = vector.broadcast %lt3A_318 : i32 to vector<16xi32>
      %lt3A_320 = arith.cmpi slt, %broadcast_in_dim3A_37, %lt3A_319 : vector<16xi32>
      %add3A_321 = arith.constant 16 : i32
      %add3A_322 = vector.broadcast %add3A_321 : i32 to vector<16xi32>
      %add3A_323 = arith.addi %broadcast_in_dim3A_37, %add3A_322 : vector<16xi32>
      %select_n3A_324 = arith.select %lt3A_320, %add3A_323, %broadcast_in_dim3A_37 : vector<16xi1>, vector<16xi32>
      %broadcast_in_dim3A_325 = vector.shape_cast %select_n3A_324 : vector<16xi32> to vector<16x1xi32>
      %gather3A_326 = vector.shape_cast %broadcast_in_dim3A_325 : vector<16x1xi32> to vector<16xi32>
      %gather3A_327 = tpu.dynamic_gather %exp3A[%gather3A_326] in [0] : vector<16xf32>, vector<16xi32> -> vector<16xf32>
      %add3A_328 = arith.constant 15 : i32
      %add3A_329 = arith.addi %mul3A_66, %add3A_328 : i32
      %mul3A_330 = arith.constant 16 : i32
      %mul3A_331 = arith.muli %add3A_329, %mul3A_330 : i32
      %swap3A_332 = arith.index_cast %mul3A_331 : i32 to index
      %swap3A_333 = tpu.vector_load %arg8[%swap3A_332] {strides = array<i32>} : memref<65536xf32, #tpu.memory_space<vmem>>, vector<16xf32>,
      tpu.vector_store %arg8[%swap3A_332], %gather3A_327 {strides = array<i32>} : memref<65536xf32, #tpu.memory_space<vmem>>, vector<16xf32>,
    }
    %scan3A_41 = arith.constant 256 : i32
    %dma_start3A = arith.constant 0 : i32
    %dma_start3A_42 = arith.constant 0 : i32
    %dma_start3A_43 = tpu.memref_slice %arg2[%mul3A_2, %dma_start3A, %dma_start3A_42] : memref<16384x2x512xf32, #tpu.memory_space<hbm>> -> memref<16x2x512xf32, #tpu.memory_space<hbm>>
    %dma_start3A_44 = arith.constant 0 : i32
    %dma_start3A_45 = arith.constant 0 : i32
    %dma_start3A_46 = tpu.memref_slice %arg2[%mul3A_2, %dma_start3A_44, %dma_start3A_45] : memref<16384x2x512xf32, #tpu.memory_space<hbm>> -> memref<16x2x512xf32, #tpu.memory_space<hbm>>
    tpu.enqueue_dma source(%dma_start3A_46 : memref<16x2x512xf32, #tpu.memory_space<hbm>>) target(%arg10 : memref<16x2x512xf32, #tpu.memory_space<vmem>>) target_semaphore(%arg13 : memref<!tpu.dma_semaphore, #tpu.memory_space<semaphore_mem>>)
    %add3A_47 = arith.constant 16 : i32
    %add3A_48 = arith.addi %mul3A_2, %add3A_47 : i32
    %dma_start3A_49 = arith.constant 0 : i32
    %dma_start3A_50 = arith.constant 0 : i32
    %dma_start3A_51 = tpu.memref_slice %arg2[%add3A_48, %dma_start3A_49, %dma_start3A_50] : memref<16384x2x512xf32, #tpu.memory_space<hbm>> -> memref<16x2x512xf32, #tpu.memory_space<hbm>>
    %dma_start3A_52 = arith.constant 0 : i32
    %dma_start3A_53 = arith.constant 0 : i32
    %dma_start3A_54 = tpu.memref_slice %arg2[%add3A_48, %dma_start3A_52, %dma_start3A_53] : memref<16384x2x512xf32, #tpu.memory_space<hbm>> -> memref<16x2x512xf32, #tpu.memory_space<hbm>>
    tpu.enqueue_dma source(%dma_start3A_54 : memref<16x2x512xf32, #tpu.memory_space<hbm>>) target(%arg11 : memref<16x2x512xf32, #tpu.memory_space<vmem>>) target_semaphore(%arg14 : memref<!tpu.dma_semaphore, #tpu.memory_space<semaphore_mem>>)
    %scan3A_55 = arith.constant 0 : i32
    %scan3A_56 = arith.constant 7 : i32
    %scan3A_57 = arith.addi %scan3A_55, %scan3A_56 : i32
    %scan3A_58 = arith.constant 1 : i32
    scf.for %scan3A_60 = %scan3A_55 to %scan3A_57 step %scan3A_58  : i32 {
      %mul3A_61 = arith.constant 2 : i32
      %mul3A_62 = arith.muli %scan3A_60, %mul3A_61 : i32
      %add3A_63 = arith.constant 0 : i32
      %add3A_64 = arith.addi %add3A_63, %mul3A_62 : i32
      %mul3A_65 = arith.constant 16 : i32
      %mul3A_66 = arith.muli %add3A_64, %mul3A_65 : i32
      %add3A_67 = arith.addi %mul3A_2, %mul3A_66 : i32
      %dma_wait3A = arith.constant 0 : i32
      %dma_wait3A_68 = arith.constant 0 : i32
      %dma_wait3A_69 = tpu.memref_slice %arg2[%add3A_67, %dma_wait3A, %dma_wait3A_68] : memref<16384x2x512xf32, #tpu.memory_space<hbm>> -> memref<16x2x512xf32, #tpu.memory_space<hbm>>
      %dma_wait3A_70 = arith.constant 0 : i32
      %dma_wait3A_71 = arith.constant 0 : i32
      %dma_wait3A_72 = tpu.memref_slice %arg2[%add3A_67, %dma_wait3A_70, %dma_wait3A_71] : memref<16384x2x512xf32, #tpu.memory_space<hbm>> -> memref<16x2x512xf32, #tpu.memory_space<hbm>>
      tpu.wait_dma2 semaphore(%arg13 : memref<!tpu.dma_semaphore, #tpu.memory_space<semaphore_mem>>) src(%dma_wait3A_72 : memref<16x2x512xf32, #tpu.memory_space<hbm>>) dst(%arg10 : memref<16x2x512xf32, #tpu.memory_space<vmem>>)
      %scan3A_73 = arith.constant 0 : i32
      %scan3A_74 = arith.constant 16 : i32
      %scan3A_75 = arith.addi %scan3A_73, %scan3A_74 : i32
      %scan3A_76 = arith.constant 1 : i32
      scf.for %scan3A_275 = %scan3A_73 to %scan3A_75 step %scan3A_76  : i32 {
        %mul3A_276 = arith.constant 1 : i32
        %mul3A_277 = arith.muli %scan3A_275, %mul3A_276 : i32
        %add3A_278 = arith.constant 0 : i32
        %add3A_279 = arith.addi %add3A_278, %mul3A_277 : i32
        %broadcast_in_dim3A_280 = arith.constant 0.000000e+00 : f32
        %broadcast_in_dim3A_281 = vector.broadcast %broadcast_in_dim3A_280 : f32 to vector<16xf32>
        %scan3A_282 = arith.constant 0 : i32
        %scan3A_283 = arith.constant 32 : i32
        %scan3A_284 = arith.addi %scan3A_282, %scan3A_283 : i32
        %scan3A_285 = arith.constant 8 : i32
        %scan3A_286 = scf.for %scan3A_292 = %scan3A_282 to %scan3A_284 step %scan3A_285 iter_args(%scan3A_293 = %broadcast_in_dim3A_281) -> (vector<16xf32>)  : i32 {
          %mul3A_294 = arith.constant 1 : i32
          %mul3A_295 = arith.muli %scan3A_292, %mul3A_294 : i32
          %add3A_296 = arith.constant 0 : i32
          %add3A_297 = arith.addi %add3A_296, %mul3A_295 : i32
          %mul3A_298 = arith.constant 16 : i32
          %mul3A_299 = arith.muli %add3A_297, %mul3A_298 : i32
          %get3A_300 = arith.constant 0 : i32
          %get3A_301 = arith.index_cast %add3A_279 : i32 to index
          %get3A_302 = arith.index_cast %get3A_300 : i32 to index
          %get3A_303 = arith.index_cast %mul3A_299 : i32 to index
          %get3A_304 = tpu.vector_load %arg10[%get3A_301, %get3A_302, %get3A_303] {strides = array<i32>} : memref<16x2x512xf32, #tpu.memory_space<vmem>>, vector<16xf32>,
          %mul3A_305 = arith.constant 16 : i32
          %mul3A_306 = arith.muli %add3A_297, %mul3A_305 : i32
          %get3A_307 = arith.constant 1 : i32
          %get3A_308 = arith.index_cast %add3A_279 : i32 to index
          %get3A_309 = arith.index_cast %get3A_307 : i32 to index
          %get3A_310 = arith.index_cast %mul3A_306 : i32 to index
          %get3A_311 = tpu.vector_load %arg10[%get3A_308, %get3A_309, %get3A_310] {strides = array<i32>} : memref<16x2x512xf32, #tpu.memory_space<vmem>>, vector<16xf32>,
          %sub3A = arith.constant 1.000000e+00 : f32
          %sub3A_312 = vector.broadcast %sub3A : f32 to vector<16xf32>
          %sub3A_313 = arith.subf %sub3A_312, %get3A_304 : vector<16xf32>
          %mul3A_314 = arith.constant 6.300000e+01 : f32
          %mul3A_315 = vector.broadcast %mul3A_314 : f32 to vector<16xf32>
          %mul3A_316 = arith.mulf %sub3A_313, %mul3A_315 : vector<16xf32>
          %convert_element_type3A_317 = arith.fptosi %mul3A_316 : vector<16xf32> to vector<16xi32>
          %sub3A_318 = arith.constant 1.000000e+00 : f32
          %sub3A_319 = vector.broadcast %sub3A_318 : f32 to vector<16xf32>
          %sub3A_320 = arith.subf %sub3A_319, %get3A_311 : vector<16xf32>
          %mul3A_321 = arith.constant 6.300000e+01 : f32
          %mul3A_322 = vector.broadcast %mul3A_321 : f32 to vector<16xf32>
          %mul3A_323 = arith.mulf %sub3A_320, %mul3A_322 : vector<16xf32>
          %convert_element_type3A_324 = arith.fptosi %mul3A_323 : vector<16xf32> to vector<16xi32>
          %shift_left3A = arith.constant 10 : i32
          %shift_left3A_325 = vector.broadcast %shift_left3A : i32 to vector<16xi32>
          %shift_left3A_326 = arith.shli %convert_element_type3A_317, %shift_left3A_325 : vector<16xi32>
          %shift_left3A_327 = arith.constant 4 : i32
          %shift_left3A_328 = vector.broadcast %shift_left3A_327 : i32 to vector<16xi32>
          %shift_left3A_329 = arith.shli %convert_element_type3A_324, %shift_left3A_328 : vector<16xi32>
          %or3A = arith.ori %shift_left3A_326, %shift_left3A_329 : vector<16xi32>
          %or3A_330 = arith.ori %or3A, %iota3A : vector<16xi32>
          %gather3A_331 = tpu.vector_load_idx %arg8[%or3A_330] : memref<65536xf32, #tpu.memory_space<vmem>>[vector<16xi32>], vector<16xf32>,
          %add3A_332 = arith.addf %scan3A_293, %gather3A_331 : vector<16xf32>
          %scan3A_333 = arith.constant 1 : i32
          %scan3A_334 = arith.addi %scan3A_292, %scan3A_333 : i32
          %mul3A_335 = arith.constant 1 : i32
          %mul3A_336 = arith.muli %scan3A_334, %mul3A_335 : i32
          %add3A_337 = arith.constant 0 : i32
          %add3A_338 = arith.addi %add3A_337, %mul3A_336 : i32
          %mul3A_339 = arith.constant 16 : i32
          %mul3A_340 = arith.muli %add3A_338, %mul3A_339 : i32
          %get3A_341 = arith.constant 0 : i32
          %get3A_342 = arith.index_cast %add3A_279 : i32 to index
          %get3A_343 = arith.index_cast %get3A_341 : i32 to index
          %get3A_344 = arith.index_cast %mul3A_340 : i32 to index
          %get3A_345 = tpu.vector_load %arg10[%get3A_342, %get3A_343, %get3A_344] {strides = array<i32>} : memref<16x2x512xf32, #tpu.memory_space<vmem>>, vector<16xf32>,
          %mul3A_346 = arith.constant 16 : i32
          %mul3A_347 = arith.muli %add3A_338, %mul3A_346 : i32
          %get3A_348 = arith.constant 1 : i32
          %get3A_349 = arith.index_cast %add3A_279 : i32 to index
          %get3A_350 = arith.index_cast %get3A_348 : i32 to index
          %get3A_351 = arith.index_cast %mul3A_347 : i32 to index
          %get3A_352 = tpu.vector_load %arg10[%get3A_349, %get3A_350, %get3A_351] {strides = array<i32>} : memref<16x2x512xf32, #tpu.memory_space<vmem>>, vector<16xf32>,
          %sub3A_353 = arith.constant 1.000000e+00 : f32
          %sub3A_354 = vector.broadcast %sub3A_353 : f32 to vector<16xf32>
          %sub3A_355 = arith.subf %sub3A_354, %get3A_345 : vector<16xf32>
          %mul3A_356 = arith.constant 6.300000e+01 : f32
          %mul3A_357 = vector.broadcast %mul3A_356 : f32 to vector<16xf32>
          %mul3A_358 = arith.mulf %sub3A_355, %mul3A_357 : vector<16xf32>
          %convert_element_type3A_359 = arith.fptosi %mul3A_358 : vector<16xf32> to vector<16xi32>
          %sub3A_360 = arith.constant 1.000000e+00 : f32
          %sub3A_361 = vector.broadcast %sub3A_360 : f32 to vector<16xf32>
          %sub3A_362 = arith.subf %sub3A_361, %get3A_352 : vector<16xf32>
          %mul3A_363 = arith.constant 6.300000e+01 : f32
          %mul3A_364 = vector.broadcast %mul3A_363 : f32 to vector<16xf32>
          %mul3A_365 = arith.mulf %sub3A_362, %mul3A_364 : vector<16xf32>
          %convert_element_type3A_366 = arith.fptosi %mul3A_365 : vector<16xf32> to vector<16xi32>
          %shift_left3A_367 = arith.constant 10 : i32
          %shift_left3A_368 = vector.broadcast %shift_left3A_367 : i32 to vector<16xi32>
          %shift_left3A_369 = arith.shli %convert_element_type3A_359, %shift_left3A_368 : vector<16xi32>
          %shift_left3A_370 = arith.constant 4 : i32
          %shift_left3A_371 = vector.broadcast %shift_left3A_370 : i32 to vector<16xi32>
          %shift_left3A_372 = arith.shli %convert_element_type3A_366, %shift_left3A_371 : vector<16xi32>
          %or3A_373 = arith.ori %shift_left3A_369, %shift_left3A_372 : vector<16xi32>
          %or3A_374 = arith.ori %or3A_373, %iota3A : vector<16xi32>
          %gather3A_375 = tpu.vector_load_idx %arg8[%or3A_374] : memref<65536xf32, #tpu.memory_space<vmem>>[vector<16xi32>], vector<16xf32>,
          %add3A_376 = arith.addf %add3A_332, %gather3A_375 : vector<16xf32>
          %scan3A_377 = arith.constant 2 : i32
          %scan3A_378 = arith.addi %scan3A_292, %scan3A_377 : i32
          %mul3A_379 = arith.constant 1 : i32
          %mul3A_380 = arith.muli %scan3A_378, %mul3A_379 : i32
          %add3A_381 = arith.constant 0 : i32
          %add3A_382 = arith.addi %add3A_381, %mul3A_380 : i32
          %mul3A_383 = arith.constant 16 : i32
          %mul3A_384 = arith.muli %add3A_382, %mul3A_383 : i32
          %get3A_385 = arith.constant 0 : i32
          %get3A_386 = arith.index_cast %add3A_279 : i32 to index
          %get3A_387 = arith.index_cast %get3A_385 : i32 to index
          %get3A_388 = arith.index_cast %mul3A_384 : i32 to index
          %get3A_389 = tpu.vector_load %arg10[%get3A_386, %get3A_387, %get3A_388] {strides = array<i32>} : memref<16x2x512xf32, #tpu.memory_space<vmem>>, vector<16xf32>,
          %mul3A_390 = arith.constant 16 : i32
          %mul3A_391 = arith.muli %add3A_382, %mul3A_390 : i32
          %get3A_392 = arith.constant 1 : i32
          %get3A_393 = arith.index_cast %add3A_279 : i32 to index
          %get3A_394 = arith.index_cast %get3A_392 : i32 to index
          %get3A_395 = arith.index_cast %mul3A_391 : i32 to index
          %get3A_396 = tpu.vector_load %arg10[%get3A_393, %get3A_394, %get3A_395] {strides = array<i32>} : memref<16x2x512xf32, #tpu.memory_space<vmem>>, vector<16xf32>,
          %sub3A_397 = arith.constant 1.000000e+00 : f32
          %sub3A_398 = vector.broadcast %sub3A_397 : f32 to vector<16xf32>
          %sub3A_399 = arith.subf %sub3A_398, %get3A_389 : vector<16xf32>
          %mul3A_400 = arith.constant 6.300000e+01 : f32
          %mul3A_401 = vector.broadcast %mul3A_400 : f32 to vector<16xf32>
          %mul3A_402 = arith.mulf %sub3A_399, %mul3A_401 : vector<16xf32>
          %convert_element_type3A_403 = arith.fptosi %mul3A_402 : vector<16xf32> to vector<16xi32>
          %sub3A_404 = arith.constant 1.000000e+00 : f32
          %sub3A_405 = vector.broadcast %sub3A_404 : f32 to vector<16xf32>
          %sub3A_406 = arith.subf %sub3A_405, %get3A_396 : vector<16xf32>
          %mul3A_407 = arith.constant 6.300000e+01 : f32
          %mul3A_408 = vector.broadcast %mul3A_407 : f32 to vector<16xf32>
          %mul3A_409 = arith.mulf %sub3A_406, %mul3A_408 : vector<16xf32>
          %convert_element_type3A_410 = arith.fptosi %mul3A_409 : vector<16xf32> to vector<16xi32>
          %shift_left3A_411 = arith.constant 10 : i32
          %shift_left3A_412 = vector.broadcast %shift_left3A_411 : i32 to vector<16xi32>
          %shift_left3A_413 = arith.shli %convert_element_type3A_403, %shift_left3A_412 : vector<16xi32>
          %shift_left3A_414 = arith.constant 4 : i32
          %shift_left3A_415 = vector.broadcast %shift_left3A_414 : i32 to vector<16xi32>
          %shift_left3A_416 = arith.shli %convert_element_type3A_410, %shift_left3A_415 : vector<16xi32>
          %or3A_417 = arith.ori %shift_left3A_413, %shift_left3A_416 : vector<16xi32>
          %or3A_418 = arith.ori %or3A_417, %iota3A : vector<16xi32>
          %gather3A_419 = tpu.vector_load_idx %arg8[%or3A_418] : memref<65536xf32, #tpu.memory_space<vmem>>[vector<16xi32>], vector<16xf32>,
          %add3A_420 = arith.addf %add3A_376, %gather3A_419 : vector<16xf32>
          %scan3A_421 = arith.constant 3 : i32
          %scan3A_422 = arith.addi %scan3A_292, %scan3A_421 : i32
          %mul3A_423 = arith.constant 1 : i32
          %mul3A_424 = arith.muli %scan3A_422, %mul3A_423 : i32
          %add3A_425 = arith.constant 0 : i32
          %add3A_426 = arith.addi %add3A_425, %mul3A_424 : i32
          %mul3A_427 = arith.constant 16 : i32
          %mul3A_428 = arith.muli %add3A_426, %mul3A_427 : i32
          %get3A_429 = arith.constant 0 : i32
          %get3A_430 = arith.index_cast %add3A_279 : i32 to index
          %get3A_431 = arith.index_cast %get3A_429 : i32 to index
          %get3A_432 = arith.index_cast %mul3A_428 : i32 to index
          %get3A_433 = tpu.vector_load %arg10[%get3A_430, %get3A_431, %get3A_432] {strides = array<i32>} : memref<16x2x512xf32, #tpu.memory_space<vmem>>, vector<16xf32>,
          %mul3A_434 = arith.constant 16 : i32
          %mul3A_435 = arith.muli %add3A_426, %mul3A_434 : i32
          %get3A_436 = arith.constant 1 : i32
          %get3A_437 = arith.index_cast %add3A_279 : i32 to index
          %get3A_438 = arith.index_cast %get3A_436 : i32 to index
          %get3A_439 = arith.index_cast %mul3A_435 : i32 to index
          %get3A_440 = tpu.vector_load %arg10[%get3A_437, %get3A_438, %get3A_439] {strides = array<i32>} : memref<16x2x512xf32, #tpu.memory_space<vmem>>, vector<16xf32>,
          %sub3A_441 = arith.constant 1.000000e+00 : f32
          %sub3A_442 = vector.broadcast %sub3A_441 : f32 to vector<16xf32>
          %sub3A_443 = arith.subf %sub3A_442, %get3A_433 : vector<16xf32>
          %mul3A_444 = arith.constant 6.300000e+01 : f32
          %mul3A_445 = vector.broadcast %mul3A_444 : f32 to vector<16xf32>
          %mul3A_446 = arith.mulf %sub3A_443, %mul3A_445 : vector<16xf32>
          %convert_element_type3A_447 = arith.fptosi %mul3A_446 : vector<16xf32> to vector<16xi32>
          %sub3A_448 = arith.constant 1.000000e+00 : f32
          %sub3A_449 = vector.broadcast %sub3A_448 : f32 to vector<16xf32>
          %sub3A_450 = arith.subf %sub3A_449, %get3A_440 : vector<16xf32>
          %mul3A_451 = arith.constant 6.300000e+01 : f32
          %mul3A_452 = vector.broadcast %mul3A_451 : f32 to vector<16xf32>
          %mul3A_453 = arith.mulf %sub3A_450, %mul3A_452 : vector<16xf32>
          %convert_element_type3A_454 = arith.fptosi %mul3A_453 : vector<16xf32> to vector<16xi32>
          %shift_left3A_455 = arith.constant 10 : i32
          %shift_left3A_456 = vector.broadcast %shift_left3A_455 : i32 to vector<16xi32>
          %shift_left3A_457 = arith.shli %convert_element_type3A_447, %shift_left3A_456 : vector<16xi32>
          %shift_left3A_458 = arith.constant 4 : i32
          %shift_left3A_459 = vector.broadcast %shift_left3A_458 : i32 to vector<16xi32>
          %shift_left3A_460 = arith.shli %convert_element_type3A_454, %shift_left3A_459 : vector<16xi32>
          %or3A_461 = arith.ori %shift_left3A_457, %shift_left3A_460 : vector<16xi32>
          %or3A_462 = arith.ori %or3A_461, %iota3A : vector<16xi32>
          %gather3A_463 = tpu.vector_load_idx %arg8[%or3A_462] : memref<65536xf32, #tpu.memory_space<vmem>>[vector<16xi32>], vector<16xf32>,
          %add3A_464 = arith.addf %add3A_420, %gather3A_463 : vector<16xf32>
          %scan3A_465 = arith.constant 4 : i32
          %scan3A_466 = arith.addi %scan3A_292, %scan3A_465 : i32
          %mul3A_467 = arith.constant 1 : i32
          %mul3A_468 = arith.muli %scan3A_466, %mul3A_467 : i32
          %add3A_469 = arith.constant 0 : i32
          %add3A_470 = arith.addi %add3A_469, %mul3A_468 : i32
          %mul3A_471 = arith.constant 16 : i32
          %mul3A_472 = arith.muli %add3A_470, %mul3A_471 : i32
          %get3A_473 = arith.constant 0 : i32
          %get3A_474 = arith.index_cast %add3A_279 : i32 to index
          %get3A_475 = arith.index_cast %get3A_473 : i32 to index
          %get3A_476 = arith.index_cast %mul3A_472 : i32 to index
          %get3A_477 = tpu.vector_load %arg10[%get3A_474, %get3A_475, %get3A_476] {strides = array<i32>} : memref<16x2x512xf32, #tpu.memory_space<vmem>>, vector<16xf32>,
          %mul3A_478 = arith.constant 16 : i32
          %mul3A_479 = arith.muli %add3A_470, %mul3A_478 : i32
          %get3A_480 = arith.constant 1 : i32
          %get3A_481 = arith.index_cast %add3A_279 : i32 to index
          %get3A_482 = arith.index_cast %get3A_480 : i32 to index
          %get3A_483 = arith.index_cast %mul3A_479 : i32 to index
          %get3A_484 = tpu.vector_load %arg10[%get3A_481, %get3A_482, %get3A_483] {strides = array<i32>} : memref<16x2x512xf32, #tpu.memory_space<vmem>>, vector<16xf32>,
          %sub3A_485 = arith.constant 1.000000e+00 : f32
          %sub3A_486 = vector.broadcast %sub3A_485 : f32 to vector<16xf32>
          %sub3A_487 = arith.subf %sub3A_486, %get3A_477 : vector<16xf32>
          %mul3A_488 = arith.constant 6.300000e+01 : f32
          %mul3A_489 = vector.broadcast %mul3A_488 : f32 to vector<16xf32>
          %mul3A_490 = arith.mulf %sub3A_487, %mul3A_489 : vector<16xf32>
          %convert_element_type3A_491 = arith.fptosi %mul3A_490 : vector<16xf32> to vector<16xi32>
          %sub3A_492 = arith.constant 1.000000e+00 : f32
          %sub3A_493 = vector.broadcast %sub3A_492 : f32 to vector<16xf32>
          %sub3A_494 = arith.subf %sub3A_493, %get3A_484 : vector<16xf32>
          %mul3A_495 = arith.constant 6.300000e+01 : f32
          %mul3A_496 = vector.broadcast %mul3A_495 : f32 to vector<16xf32>
          %mul3A_497 = arith.mulf %sub3A_494, %mul3A_496 : vector<16xf32>
          %convert_element_type3A_498 = arith.fptosi %mul3A_497 : vector<16xf32> to vector<16xi32>
          %shift_left3A_499 = arith.constant 10 : i32
          %shift_left3A_500 = vector.broadcast %shift_left3A_499 : i32 to vector<16xi32>
          %shift_left3A_501 = arith.shli %convert_element_type3A_491, %shift_left3A_500 : vector<16xi32>
          %shift_left3A_502 = arith.constant 4 : i32
          %shift_left3A_503 = vector.broadcast %shift_left3A_502 : i32 to vector<16xi32>
          %shift_left3A_504 = arith.shli %convert_element_type3A_498, %shift_left3A_503 : vector<16xi32>
          %or3A_505 = arith.ori %shift_left3A_501, %shift_left3A_504 : vector<16xi32>
          %or3A_506 = arith.ori %or3A_505, %iota3A : vector<16xi32>
          %gather3A_507 = tpu.vector_load_idx %arg8[%or3A_506] : memref<65536xf32, #tpu.memory_space<vmem>>[vector<16xi32>], vector<16xf32>,
          %add3A_508 = arith.addf %add3A_464, %gather3A_507 : vector<16xf32>
          %scan3A_509 = arith.constant 5 : i32
          %scan3A_510 = arith.addi %scan3A_292, %scan3A_509 : i32
          %mul3A_511 = arith.constant 1 : i32
          %mul3A_512 = arith.muli %scan3A_510, %mul3A_511 : i32
          %add3A_513 = arith.constant 0 : i32
          %add3A_514 = arith.addi %add3A_513, %mul3A_512 : i32
          %mul3A_515 = arith.constant 16 : i32
          %mul3A_516 = arith.muli %add3A_514, %mul3A_515 : i32
          %get3A_517 = arith.constant 0 : i32
          %get3A_518 = arith.index_cast %add3A_279 : i32 to index
          %get3A_519 = arith.index_cast %get3A_517 : i32 to index
          %get3A_520 = arith.index_cast %mul3A_516 : i32 to index
          %get3A_521 = tpu.vector_load %arg10[%get3A_518, %get3A_519, %get3A_520] {strides = array<i32>} : memref<16x2x512xf32, #tpu.memory_space<vmem>>, vector<16xf32>,
          %mul3A_522 = arith.constant 16 : i32
          %mul3A_523 = arith.muli %add3A_514, %mul3A_522 : i32
          %get3A_524 = arith.constant 1 : i32
          %get3A_525 = arith.index_cast %add3A_279 : i32 to index
          %get3A_526 = arith.index_cast %get3A_524 : i32 to index
          %get3A_527 = arith.index_cast %mul3A_523 : i32 to index
          %get3A_528 = tpu.vector_load %arg10[%get3A_525, %get3A_526, %get3A_527] {strides = array<i32>} : memref<16x2x512xf32, #tpu.memory_space<vmem>>, vector<16xf32>,
          %sub3A_529 = arith.constant 1.000000e+00 : f32
          %sub3A_530 = vector.broadcast %sub3A_529 : f32 to vector<16xf32>
          %sub3A_531 = arith.subf %sub3A_530, %get3A_521 : vector<16xf32>
          %mul3A_532 = arith.constant 6.300000e+01 : f32
          %mul3A_533 = vector.broadcast %mul3A_532 : f32 to vector<16xf32>
          %mul3A_534 = arith.mulf %sub3A_531, %mul3A_533 : vector<16xf32>
          %convert_element_type3A_535 = arith.fptosi %mul3A_534 : vector<16xf32> to vector<16xi32>
          %sub3A_536 = arith.constant 1.000000e+00 : f32
          %sub3A_537 = vector.broadcast %sub3A_536 : f32 to vector<16xf32>
          %sub3A_538 = arith.subf %sub3A_537, %get3A_528 : vector<16xf32>
          %mul3A_539 = arith.constant 6.300000e+01 : f32
          %mul3A_540 = vector.broadcast %mul3A_539 : f32 to vector<16xf32>
          %mul3A_541 = arith.mulf %sub3A_538, %mul3A_540 : vector<16xf32>
          %convert_element_type3A_542 = arith.fptosi %mul3A_541 : vector<16xf32> to vector<16xi32>
          %shift_left3A_543 = arith.constant 10 : i32
          %shift_left3A_544 = vector.broadcast %shift_left3A_543 : i32 to vector<16xi32>
          %shift_left3A_545 = arith.shli %convert_element_type3A_535, %shift_left3A_544 : vector<16xi32>
          %shift_left3A_546 = arith.constant 4 : i32
          %shift_left3A_547 = vector.broadcast %shift_left3A_546 : i32 to vector<16xi32>
          %shift_left3A_548 = arith.shli %convert_element_type3A_542, %shift_left3A_547 : vector<16xi32>
          %or3A_549 = arith.ori %shift_left3A_545, %shift_left3A_548 : vector<16xi32>
          %or3A_550 = arith.ori %or3A_549, %iota3A : vector<16xi32>
          %gather3A_551 = tpu.vector_load_idx %arg8[%or3A_550] : memref<65536xf32, #tpu.memory_space<vmem>>[vector<16xi32>], vector<16xf32>,
          %add3A_552 = arith.addf %add3A_508, %gather3A_551 : vector<16xf32>
          %scan3A_553 = arith.constant 6 : i32
          %scan3A_554 = arith.addi %scan3A_292, %scan3A_553 : i32
          %mul3A_555 = arith.constant 1 : i32
          %mul3A_556 = arith.muli %scan3A_554, %mul3A_555 : i32
          %add3A_557 = arith.constant 0 : i32
          %add3A_558 = arith.addi %add3A_557, %mul3A_556 : i32
          %mul3A_559 = arith.constant 16 : i32
          %mul3A_560 = arith.muli %add3A_558, %mul3A_559 : i32
          %get3A_561 = arith.constant 0 : i32
          %get3A_562 = arith.index_cast %add3A_279 : i32 to index
          %get3A_563 = arith.index_cast %get3A_561 : i32 to index
          %get3A_564 = arith.index_cast %mul3A_560 : i32 to index
          %get3A_565 = tpu.vector_load %arg10[%get3A_562, %get3A_563, %get3A_564] {strides = array<i32>} : memref<16x2x512xf32, #tpu.memory_space<vmem>>, vector<16xf32>,
          %mul3A_566 = arith.constant 16 : i32
          %mul3A_567 = arith.muli %add3A_558, %mul3A_566 : i32
          %get3A_568 = arith.constant 1 : i32
          %get3A_569 = arith.index_cast %add3A_279 : i32 to index
          %get3A_570 = arith.index_cast %get3A_568 : i32 to index
          %get3A_571 = arith.index_cast %mul3A_567 : i32 to index
          %get3A_572 = tpu.vector_load %arg10[%get3A_569, %get3A_570, %get3A_571] {strides = array<i32>} : memref<16x2x512xf32, #tpu.memory_space<vmem>>, vector<16xf32>,
          %sub3A_573 = arith.constant 1.000000e+00 : f32
          %sub3A_574 = vector.broadcast %sub3A_573 : f32 to vector<16xf32>
          %sub3A_575 = arith.subf %sub3A_574, %get3A_565 : vector<16xf32>
          %mul3A_576 = arith.constant 6.300000e+01 : f32
          %mul3A_577 = vector.broadcast %mul3A_576 : f32 to vector<16xf32>
          %mul3A_578 = arith.mulf %sub3A_575, %mul3A_577 : vector<16xf32>
          %convert_element_type3A_579 = arith.fptosi %mul3A_578 : vector<16xf32> to vector<16xi32>
          %sub3A_580 = arith.constant 1.000000e+00 : f32
          %sub3A_581 = vector.broadcast %sub3A_580 : f32 to vector<16xf32>
          %sub3A_582 = arith.subf %sub3A_581, %get3A_572 : vector<16xf32>
          %mul3A_583 = arith.constant 6.300000e+01 : f32
          %mul3A_584 = vector.broadcast %mul3A_583 : f32 to vector<16xf32>
          %mul3A_585 = arith.mulf %sub3A_582, %mul3A_584 : vector<16xf32>
          %convert_element_type3A_586 = arith.fptosi %mul3A_585 : vector<16xf32> to vector<16xi32>
          %shift_left3A_587 = arith.constant 10 : i32
          %shift_left3A_588 = vector.broadcast %shift_left3A_587 : i32 to vector<16xi32>
          %shift_left3A_589 = arith.shli %convert_element_type3A_579, %shift_left3A_588 : vector<16xi32>
          %shift_left3A_590 = arith.constant 4 : i32
          %shift_left3A_591 = vector.broadcast %shift_left3A_590 : i32 to vector<16xi32>
          %shift_left3A_592 = arith.shli %convert_element_type3A_586, %shift_left3A_591 : vector<16xi32>
          %or3A_593 = arith.ori %shift_left3A_589, %shift_left3A_592 : vector<16xi32>
          %or3A_594 = arith.ori %or3A_593, %iota3A : vector<16xi32>
          %gather3A_595 = tpu.vector_load_idx %arg8[%or3A_594] : memref<65536xf32, #tpu.memory_space<vmem>>[vector<16xi32>], vector<16xf32>,
          %add3A_596 = arith.addf %add3A_552, %gather3A_595 : vector<16xf32>
          %scan3A_597 = arith.constant 7 : i32
          %scan3A_598 = arith.addi %scan3A_292, %scan3A_597 : i32
          %mul3A_599 = arith.constant 1 : i32
          %mul3A_600 = arith.muli %scan3A_598, %mul3A_599 : i32
          %add3A_601 = arith.constant 0 : i32
          %add3A_602 = arith.addi %add3A_601, %mul3A_600 : i32
          %mul3A_603 = arith.constant 16 : i32
          %mul3A_604 = arith.muli %add3A_602, %mul3A_603 : i32
          %get3A_605 = arith.constant 0 : i32
          %get3A_606 = arith.index_cast %add3A_279 : i32 to index
          %get3A_607 = arith.index_cast %get3A_605 : i32 to index
          %get3A_608 = arith.index_cast %mul3A_604 : i32 to index
          %get3A_609 = tpu.vector_load %arg10[%get3A_606, %get3A_607, %get3A_608] {strides = array<i32>} : memref<16x2x512xf32, #tpu.memory_space<vmem>>, vector<16xf32>,
          %mul3A_610 = arith.constant 16 : i32
          %mul3A_611 = arith.muli %add3A_602, %mul3A_610 : i32
          %get3A_612 = arith.constant 1 : i32
          %get3A_613 = arith.index_cast %add3A_279 : i32 to index
          %get3A_614 = arith.index_cast %get3A_612 : i32 to index
          %get3A_615 = arith.index_cast %mul3A_611 : i32 to index
          %get3A_616 = tpu.vector_load %arg10[%get3A_613, %get3A_614, %get3A_615] {strides = array<i32>} : memref<16x2x512xf32, #tpu.memory_space<vmem>>, vector<16xf32>,
          %sub3A_617 = arith.constant 1.000000e+00 : f32
          %sub3A_618 = vector.broadcast %sub3A_617 : f32 to vector<16xf32>
          %sub3A_619 = arith.subf %sub3A_618, %get3A_609 : vector<16xf32>
          %mul3A_620 = arith.constant 6.300000e+01 : f32
          %mul3A_621 = vector.broadcast %mul3A_620 : f32 to vector<16xf32>
          %mul3A_622 = arith.mulf %sub3A_619, %mul3A_621 : vector<16xf32>
          %convert_element_type3A_623 = arith.fptosi %mul3A_622 : vector<16xf32> to vector<16xi32>
          %sub3A_624 = arith.constant 1.000000e+00 : f32
          %sub3A_625 = vector.broadcast %sub3A_624 : f32 to vector<16xf32>
          %sub3A_626 = arith.subf %sub3A_625, %get3A_616 : vector<16xf32>
          %mul3A_627 = arith.constant 6.300000e+01 : f32
          %mul3A_628 = vector.broadcast %mul3A_627 : f32 to vector<16xf32>
          %mul3A_629 = arith.mulf %sub3A_626, %mul3A_628 : vector<16xf32>
          %convert_element_type3A_630 = arith.fptosi %mul3A_629 : vector<16xf32> to vector<16xi32>
          %shift_left3A_631 = arith.constant 10 : i32
          %shift_left3A_632 = vector.broadcast %shift_left3A_631 : i32 to vector<16xi32>
          %shift_left3A_633 = arith.shli %convert_element_type3A_623, %shift_left3A_632 : vector<16xi32>
          %shift_left3A_634 = arith.constant 4 : i32
          %shift_left3A_635 = vector.broadcast %shift_left3A_634 : i32 to vector<16xi32>
          %shift_left3A_636 = arith.shli %convert_element_type3A_630, %shift_left3A_635 : vector<16xi32>
          %or3A_637 = arith.ori %shift_left3A_633, %shift_left3A_636 : vector<16xi32>
          %or3A_638 = arith.ori %or3A_637, %iota3A : vector<16xi32>
          %gather3A_639 = tpu.vector_load_idx %arg8[%or3A_638] : memref<65536xf32, #tpu.memory_space<vmem>>[vector<16xi32>], vector<16xf32>,
          %add3A_640 = arith.addf %add3A_596, %gather3A_639 : vector<16xf32>
          scf.yield %add3A_640 : vector<16xf32>
        }
        %scan3A_287 = arith.constant 32 : i32
        %mul3A_288 = arith.constant 17 : i32
        %mul3A_289 = arith.muli %add3A_279, %mul3A_288 : i32
        %swap3A_290 = arith.index_cast %mul3A_289 : i32 to index
        %swap3A_291 = tpu.vector_load %arg9[%swap3A_290] {strides = array<i32>} : memref<272xf32, #tpu.memory_space<vmem>>, vector<16xf32>,
        tpu.vector_store %arg9[%swap3A_290], %scan3A_286 {strides = array<i32>} : memref<272xf32, #tpu.memory_space<vmem>>, vector<16xf32>,
      }
      %scan3A_77 = arith.constant 16 : i32
      %broadcast_in_dim3A_78 = arith.constant 0.000000e+00 : f32
      %broadcast_in_dim3A_79 = vector.broadcast %broadcast_in_dim3A_78 : f32 to vector<16xf32>
      %add3A_80 = arith.constant 0 : i32
      %add3A_81 = vector.broadcast %add3A_80 : i32 to vector<16xi32>
      %add3A_82 = arith.addi %mul3A_6, %add3A_81 : vector<16xi32>
      %gather3A = tpu.vector_load_idx %arg9[%add3A_82] : memref<272xf32, #tpu.memory_space<vmem>>[vector<16xi32>], vector<16xf32>,
      %add3A_83 = arith.addf %broadcast_in_dim3A_79, %gather3A : vector<16xf32>
      %add3A_84 = arith.constant 1 : i32
      %add3A_85 = vector.broadcast %add3A_84 : i32 to vector<16xi32>
      %add3A_86 = arith.addi %mul3A_6, %add3A_85 : vector<16xi32>
      %gather3A_87 = tpu.vector_load_idx %arg9[%add3A_86] : memref<272xf32, #tpu.memory_space<vmem>>[vector<16xi32>], vector<16xf32>,
      %add3A_88 = arith.addf %add3A_83, %gather3A_87 : vector<16xf32>
      %add3A_89 = arith.constant 2 : i32
      %add3A_90 = vector.broadcast %add3A_89 : i32 to vector<16xi32>
      %add3A_91 = arith.addi %mul3A_6, %add3A_90 : vector<16xi32>
      %gather3A_92 = tpu.vector_load_idx %arg9[%add3A_91] : memref<272xf32, #tpu.memory_space<vmem>>[vector<16xi32>], vector<16xf32>,
      %add3A_93 = arith.addf %add3A_88, %gather3A_92 : vector<16xf32>
      %add3A_94 = arith.constant 3 : i32
      %add3A_95 = vector.broadcast %add3A_94 : i32 to vector<16xi32>
      %add3A_96 = arith.addi %mul3A_6, %add3A_95 : vector<16xi32>
      %gather3A_97 = tpu.vector_load_idx %arg9[%add3A_96] : memref<272xf32, #tpu.memory_space<vmem>>[vector<16xi32>], vector<16xf32>,
      %add3A_98 = arith.addf %add3A_93, %gather3A_97 : vector<16xf32>
      %add3A_99 = arith.constant 4 : i32
      %add3A_100 = vector.broadcast %add3A_99 : i32 to vector<16xi32>
      %add3A_101 = arith.addi %mul3A_6, %add3A_100 : vector<16xi32>
      %gather3A_102 = tpu.vector_load_idx %arg9[%add3A_101] : memref<272xf32, #tpu.memory_space<vmem>>[vector<16xi32>], vector<16xf32>,
      %add3A_103 = arith.addf %add3A_98, %gather3A_102 : vector<16xf32>
      %add3A_104 = arith.constant 5 : i32
      %add3A_105 = vector.broadcast %add3A_104 : i32 to vector<16xi32>
      %add3A_106 = arith.addi %mul3A_6, %add3A_105 : vector<16xi32>
      %gather3A_107 = tpu.vector_load_idx %arg9[%add3A_106] : memref<272xf32, #tpu.memory_space<vmem>>[vector<16xi32>], vector<16xf32>,
      %add3A_108 = arith.addf %add3A_103, %gather3A_107 : vector<16xf32>
      %add3A_109 = arith.constant 6 : i32
      %add3A_110 = vector.broadcast %add3A_109 : i32 to vector<16xi32>
      %add3A_111 = arith.addi %mul3A_6, %add3A_110 : vector<16xi32>
      %gather3A_112 = tpu.vector_load_idx %arg9[%add3A_111] : memref<272xf32, #tpu.memory_space<vmem>>[vector<16xi32>], vector<16xf32>,
      %add3A_113 = arith.addf %add3A_108, %gather3A_112 : vector<16xf32>
      %add3A_114 = arith.constant 7 : i32
      %add3A_115 = vector.broadcast %add3A_114 : i32 to vector<16xi32>
      %add3A_116 = arith.addi %mul3A_6, %add3A_115 : vector<16xi32>
      %gather3A_117 = tpu.vector_load_idx %arg9[%add3A_116] : memref<272xf32, #tpu.memory_space<vmem>>[vector<16xi32>], vector<16xf32>,
      %add3A_118 = arith.addf %add3A_113, %gather3A_117 : vector<16xf32>
      %add3A_119 = arith.constant 8 : i32
      %add3A_120 = vector.broadcast %add3A_119 : i32 to vector<16xi32>
      %add3A_121 = arith.addi %mul3A_6, %add3A_120 : vector<16xi32>
      %gather3A_122 = tpu.vector_load_idx %arg9[%add3A_121] : memref<272xf32, #tpu.memory_space<vmem>>[vector<16xi32>], vector<16xf32>,
      %add3A_123 = arith.addf %add3A_118, %gather3A_122 : vector<16xf32>
      %add3A_124 = arith.constant 9 : i32
      %add3A_125 = vector.broadcast %add3A_124 : i32 to vector<16xi32>
      %add3A_126 = arith.addi %mul3A_6, %add3A_125 : vector<16xi32>
      %gather3A_127 = tpu.vector_load_idx %arg9[%add3A_126] : memref<272xf32, #tpu.memory_space<vmem>>[vector<16xi32>], vector<16xf32>,
      %add3A_128 = arith.addf %add3A_123, %gather3A_127 : vector<16xf32>
      %add3A_129 = arith.constant 10 : i32
      %add3A_130 = vector.broadcast %add3A_129 : i32 to vector<16xi32>
      %add3A_131 = arith.addi %mul3A_6, %add3A_130 : vector<16xi32>
      %gather3A_132 = tpu.vector_load_idx %arg9[%add3A_131] : memref<272xf32, #tpu.memory_space<vmem>>[vector<16xi32>], vector<16xf32>,
      %add3A_133 = arith.addf %add3A_128, %gather3A_132 : vector<16xf32>
      %add3A_134 = arith.constant 11 : i32
      %add3A_135 = vector.broadcast %add3A_134 : i32 to vector<16xi32>
      %add3A_136 = arith.addi %mul3A_6, %add3A_135 : vector<16xi32>
      %gather3A_137 = tpu.vector_load_idx %arg9[%add3A_136] : memref<272xf32, #tpu.memory_space<vmem>>[vector<16xi32>], vector<16xf32>,
      %add3A_138 = arith.addf %add3A_133, %gather3A_137 : vector<16xf32>
      %add3A_139 = arith.constant 12 : i32
      %add3A_140 = vector.broadcast %add3A_139 : i32 to vector<16xi32>
      %add3A_141 = arith.addi %mul3A_6, %add3A_140 : vector<16xi32>
      %gather3A_142 = tpu.vector_load_idx %arg9[%add3A_141] : memref<272xf32, #tpu.memory_space<vmem>>[vector<16xi32>], vector<16xf32>,
      %add3A_143 = arith.addf %add3A_138, %gather3A_142 : vector<16xf32>
      %add3A_144 = arith.constant 13 : i32
      %add3A_145 = vector.broadcast %add3A_144 : i32 to vector<16xi32>
      %add3A_146 = arith.addi %mul3A_6, %add3A_145 : vector<16xi32>
      %gather3A_147 = tpu.vector_load_idx %arg9[%add3A_146] : memref<272xf32, #tpu.memory_space<vmem>>[vector<16xi32>], vector<16xf32>,
      %add3A_148 = arith.addf %add3A_143, %gather3A_147 : vector<16xf32>
      %add3A_149 = arith.constant 14 : i32
      %add3A_150 = vector.broadcast %add3A_149 : i32 to vector<16xi32>
      %add3A_151 = arith.addi %mul3A_6, %add3A_150 : vector<16xi32>
      %gather3A_152 = tpu.vector_load_idx %arg9[%add3A_151] : memref<272xf32, #tpu.memory_space<vmem>>[vector<16xi32>], vector<16xf32>,
      %add3A_153 = arith.addf %add3A_148, %gather3A_152 : vector<16xf32>
      %add3A_154 = arith.constant 15 : i32
      %add3A_155 = vector.broadcast %add3A_154 : i32 to vector<16xi32>
      %add3A_156 = arith.addi %mul3A_6, %add3A_155 : vector<16xi32>
      %gather3A_157 = tpu.vector_load_idx %arg9[%add3A_156] : memref<272xf32, #tpu.memory_space<vmem>>[vector<16xi32>], vector<16xf32>,
      %add3A_158 = arith.addf %add3A_153, %gather3A_157 : vector<16xf32>
      %mul3A_159 = arith.constant 16 : i32
      %mul3A_160 = arith.muli %add3A_64, %mul3A_159 : i32
      %swap3A = arith.index_cast %mul3A_160 : i32 to index
      %swap3A_161 = tpu.vector_load %arg12[%swap3A] {strides = array<i32>} : memref<224xf32, #tpu.memory_space<vmem>>, vector<16xf32>,
      tpu.vector_store %arg12[%swap3A], %add3A_158 {strides = array<i32>} : memref<224xf32, #tpu.memory_space<vmem>>, vector<16xf32>,
      %add3A_162 = arith.constant 2 : i32
      %add3A_163 = arith.addi %add3A_64, %add3A_162 : i32
      %lt3A = arith.constant 14 : i32
      %lt3A_164 = arith.cmpi slt, %add3A_163, %lt3A : i32
      %convert_element_type3A = arith.extui %lt3A_164 : i1 to i32
      %cond3A = arith.constant 0 : i32
      %cond3A_165 = arith.cmpi ne, %convert_element_type3A, %cond3A : i32
      scf.if %cond3A_165 {
        %add3A_275 = arith.constant 2 : i32
        %add3A_276 = arith.addi %add3A_64, %add3A_275 : i32
        %mul3A_277 = arith.constant 16 : i32
        %mul3A_278 = arith.muli %add3A_276, %mul3A_277 : i32
        %add3A_279 = arith.addi %mul3A_2, %mul3A_278 : i32
        %dma_start3A_280 = arith.constant 0 : i32
        %dma_start3A_281 = arith.constant 0 : i32
        %dma_start3A_282 = tpu.memref_slice %arg2[%add3A_279, %dma_start3A_280, %dma_start3A_281] : memref<16384x2x512xf32, #tpu.memory_space<hbm>> -> memref<16x2x512xf32, #tpu.memory_space<hbm>>
        %dma_start3A_283 = arith.constant 0 : i32
        %dma_start3A_284 = arith.constant 0 : i32
        %dma_start3A_285 = tpu.memref_slice %arg2[%add3A_279, %dma_start3A_283, %dma_start3A_284] : memref<16384x2x512xf32, #tpu.memory_space<hbm>> -> memref<16x2x512xf32, #tpu.memory_space<hbm>>
        tpu.enqueue_dma source(%dma_start3A_285 : memref<16x2x512xf32, #tpu.memory_space<hbm>>) target(%arg10 : memref<16x2x512xf32, #tpu.memory_space<vmem>>) target_semaphore(%arg13 : memref<!tpu.dma_semaphore, #tpu.memory_space<semaphore_mem>>)
      } else {
      }
      %add3A_166 = arith.constant 1 : i32
      %add3A_167 = arith.addi %add3A_64, %add3A_166 : i32
      %mul3A_168 = arith.constant 16 : i32
      %mul3A_169 = arith.muli %add3A_167, %mul3A_168 : i32
      %add3A_170 = arith.addi %mul3A_2, %mul3A_169 : i32
      %dma_wait3A_171 = arith.constant 0 : i32
      %dma_wait3A_172 = arith.constant 0 : i32
      %dma_wait3A_173 = tpu.memref_slice %arg2[%add3A_170, %dma_wait3A_171, %dma_wait3A_172] : memref<16384x2x512xf32, #tpu.memory_space<hbm>> -> memref<16x2x512xf32, #tpu.memory_space<hbm>>
      %dma_wait3A_174 = arith.constant 0 : i32
      %dma_wait3A_175 = arith.constant 0 : i32
      %dma_wait3A_176 = tpu.memref_slice %arg2[%add3A_170, %dma_wait3A_174, %dma_wait3A_175] : memref<16384x2x512xf32, #tpu.memory_space<hbm>> -> memref<16x2x512xf32, #tpu.memory_space<hbm>>
      tpu.wait_dma2 semaphore(%arg14 : memref<!tpu.dma_semaphore, #tpu.memory_space<semaphore_mem>>) src(%dma_wait3A_176 : memref<16x2x512xf32, #tpu.memory_space<hbm>>) dst(%arg11 : memref<16x2x512xf32, #tpu.memory_space<vmem>>)
      %scan3A_177 = arith.constant 0 : i32
      %scan3A_178 = arith.constant 16 : i32
      %scan3A_179 = arith.addi %scan3A_177, %scan3A_178 : i32
      %scan3A_180 = arith.constant 1 : i32
      scf.for %scan3A_275 = %scan3A_177 to %scan3A_179 step %scan3A_180  : i32 {
        %mul3A_276 = arith.constant 1 : i32
        %mul3A_277 = arith.muli %scan3A_275, %mul3A_276 : i32
        %add3A_278 = arith.constant 0 : i32
        %add3A_279 = arith.addi %add3A_278, %mul3A_277 : i32
        %broadcast_in_dim3A_280 = arith.constant 0.000000e+00 : f32
        %broadcast_in_dim3A_281 = vector.broadcast %broadcast_in_dim3A_280 : f32 to vector<16xf32>
        %scan3A_282 = arith.constant 0 : i32
        %scan3A_283 = arith.constant 32 : i32
        %scan3A_284 = arith.addi %scan3A_282, %scan3A_283 : i32
        %scan3A_285 = arith.constant 8 : i32
        %scan3A_286 = scf.for %scan3A_292 = %scan3A_282 to %scan3A_284 step %scan3A_285 iter_args(%scan3A_293 = %broadcast_in_dim3A_281) -> (vector<16xf32>)  : i32 {
          %mul3A_294 = arith.constant 1 : i32
          %mul3A_295 = arith.muli %scan3A_292, %mul3A_294 : i32
          %add3A_296 = arith.constant 0 : i32
          %add3A_297 = arith.addi %add3A_296, %mul3A_295 : i32
          %mul3A_298 = arith.constant 16 : i32
          %mul3A_299 = arith.muli %add3A_297, %mul3A_298 : i32
          %get3A_300 = arith.constant 0 : i32
          %get3A_301 = arith.index_cast %add3A_279 : i32 to index
          %get3A_302 = arith.index_cast %get3A_300 : i32 to index
          %get3A_303 = arith.index_cast %mul3A_299 : i32 to index
          %get3A_304 = tpu.vector_load %arg11[%get3A_301, %get3A_302, %get3A_303] {strides = array<i32>} : memref<16x2x512xf32, #tpu.memory_space<vmem>>, vector<16xf32>,
          %mul3A_305 = arith.constant 16 : i32
          %mul3A_306 = arith.muli %add3A_297, %mul3A_305 : i32
          %get3A_307 = arith.constant 1 : i32
          %get3A_308 = arith.index_cast %add3A_279 : i32 to index
          %get3A_309 = arith.index_cast %get3A_307 : i32 to index
          %get3A_310 = arith.index_cast %mul3A_306 : i32 to index
          %get3A_311 = tpu.vector_load %arg11[%get3A_308, %get3A_309, %get3A_310] {strides = array<i32>} : memref<16x2x512xf32, #tpu.memory_space<vmem>>, vector<16xf32>,
          %sub3A = arith.constant 1.000000e+00 : f32
          %sub3A_312 = vector.broadcast %sub3A : f32 to vector<16xf32>
          %sub3A_313 = arith.subf %sub3A_312, %get3A_304 : vector<16xf32>
          %mul3A_314 = arith.constant 6.300000e+01 : f32
          %mul3A_315 = vector.broadcast %mul3A_314 : f32 to vector<16xf32>
          %mul3A_316 = arith.mulf %sub3A_313, %mul3A_315 : vector<16xf32>
          %convert_element_type3A_317 = arith.fptosi %mul3A_316 : vector<16xf32> to vector<16xi32>
          %sub3A_318 = arith.constant 1.000000e+00 : f32
          %sub3A_319 = vector.broadcast %sub3A_318 : f32 to vector<16xf32>
          %sub3A_320 = arith.subf %sub3A_319, %get3A_311 : vector<16xf32>
          %mul3A_321 = arith.constant 6.300000e+01 : f32
          %mul3A_322 = vector.broadcast %mul3A_321 : f32 to vector<16xf32>
          %mul3A_323 = arith.mulf %sub3A_320, %mul3A_322 : vector<16xf32>
          %convert_element_type3A_324 = arith.fptosi %mul3A_323 : vector<16xf32> to vector<16xi32>
          %shift_left3A = arith.constant 10 : i32
          %shift_left3A_325 = vector.broadcast %shift_left3A : i32 to vector<16xi32>
          %shift_left3A_326 = arith.shli %convert_element_type3A_317, %shift_left3A_325 : vector<16xi32>
          %shift_left3A_327 = arith.constant 4 : i32
          %shift_left3A_328 = vector.broadcast %shift_left3A_327 : i32 to vector<16xi32>
          %shift_left3A_329 = arith.shli %convert_element_type3A_324, %shift_left3A_328 : vector<16xi32>
          %or3A = arith.ori %shift_left3A_326, %shift_left3A_329 : vector<16xi32>
          %or3A_330 = arith.ori %or3A, %iota3A : vector<16xi32>
          %gather3A_331 = tpu.vector_load_idx %arg8[%or3A_330] : memref<65536xf32, #tpu.memory_space<vmem>>[vector<16xi32>], vector<16xf32>,
          %add3A_332 = arith.addf %scan3A_293, %gather3A_331 : vector<16xf32>
          %scan3A_333 = arith.constant 1 : i32
          %scan3A_334 = arith.addi %scan3A_292, %scan3A_333 : i32
          %mul3A_335 = arith.constant 1 : i32
          %mul3A_336 = arith.muli %scan3A_334, %mul3A_335 : i32
          %add3A_337 = arith.constant 0 : i32
          %add3A_338 = arith.addi %add3A_337, %mul3A_336 : i32
          %mul3A_339 = arith.constant 16 : i32
          %mul3A_340 = arith.muli %add3A_338, %mul3A_339 : i32
          %get3A_341 = arith.constant 0 : i32
          %get3A_342 = arith.index_cast %add3A_279 : i32 to index
          %get3A_343 = arith.index_cast %get3A_341 : i32 to index
          %get3A_344 = arith.index_cast %mul3A_340 : i32 to index
          %get3A_345 = tpu.vector_load %arg11[%get3A_342, %get3A_343, %get3A_344] {strides = array<i32>} : memref<16x2x512xf32, #tpu.memory_space<vmem>>, vector<16xf32>,
          %mul3A_346 = arith.constant 16 : i32
          %mul3A_347 = arith.muli %add3A_338, %mul3A_346 : i32
          %get3A_348 = arith.constant 1 : i32
          %get3A_349 = arith.index_cast %add3A_279 : i32 to index
          %get3A_350 = arith.index_cast %get3A_348 : i32 to index
          %get3A_351 = arith.index_cast %mul3A_347 : i32 to index
          %get3A_352 = tpu.vector_load %arg11[%get3A_349, %get3A_350, %get3A_351] {strides = array<i32>} : memref<16x2x512xf32, #tpu.memory_space<vmem>>, vector<16xf32>,
          %sub3A_353 = arith.constant 1.000000e+00 : f32
          %sub3A_354 = vector.broadcast %sub3A_353 : f32 to vector<16xf32>
          %sub3A_355 = arith.subf %sub3A_354, %get3A_345 : vector<16xf32>
          %mul3A_356 = arith.constant 6.300000e+01 : f32
          %mul3A_357 = vector.broadcast %mul3A_356 : f32 to vector<16xf32>
          %mul3A_358 = arith.mulf %sub3A_355, %mul3A_357 : vector<16xf32>
          %convert_element_type3A_359 = arith.fptosi %mul3A_358 : vector<16xf32> to vector<16xi32>
          %sub3A_360 = arith.constant 1.000000e+00 : f32
          %sub3A_361 = vector.broadcast %sub3A_360 : f32 to vector<16xf32>
          %sub3A_362 = arith.subf %sub3A_361, %get3A_352 : vector<16xf32>
          %mul3A_363 = arith.constant 6.300000e+01 : f32
          %mul3A_364 = vector.broadcast %mul3A_363 : f32 to vector<16xf32>
          %mul3A_365 = arith.mulf %sub3A_362, %mul3A_364 : vector<16xf32>
          %convert_element_type3A_366 = arith.fptosi %mul3A_365 : vector<16xf32> to vector<16xi32>
          %shift_left3A_367 = arith.constant 10 : i32
          %shift_left3A_368 = vector.broadcast %shift_left3A_367 : i32 to vector<16xi32>
          %shift_left3A_369 = arith.shli %convert_element_type3A_359, %shift_left3A_368 : vector<16xi32>
          %shift_left3A_370 = arith.constant 4 : i32
          %shift_left3A_371 = vector.broadcast %shift_left3A_370 : i32 to vector<16xi32>
          %shift_left3A_372 = arith.shli %convert_element_type3A_366, %shift_left3A_371 : vector<16xi32>
          %or3A_373 = arith.ori %shift_left3A_369, %shift_left3A_372 : vector<16xi32>
          %or3A_374 = arith.ori %or3A_373, %iota3A : vector<16xi32>
          %gather3A_375 = tpu.vector_load_idx %arg8[%or3A_374] : memref<65536xf32, #tpu.memory_space<vmem>>[vector<16xi32>], vector<16xf32>,
          %add3A_376 = arith.addf %add3A_332, %gather3A_375 : vector<16xf32>
          %scan3A_377 = arith.constant 2 : i32
          %scan3A_378 = arith.addi %scan3A_292, %scan3A_377 : i32
          %mul3A_379 = arith.constant 1 : i32
          %mul3A_380 = arith.muli %scan3A_378, %mul3A_379 : i32
          %add3A_381 = arith.constant 0 : i32
          %add3A_382 = arith.addi %add3A_381, %mul3A_380 : i32
          %mul3A_383 = arith.constant 16 : i32
          %mul3A_384 = arith.muli %add3A_382, %mul3A_383 : i32
          %get3A_385 = arith.constant 0 : i32
          %get3A_386 = arith.index_cast %add3A_279 : i32 to index
          %get3A_387 = arith.index_cast %get3A_385 : i32 to index
          %get3A_388 = arith.index_cast %mul3A_384 : i32 to index
          %get3A_389 = tpu.vector_load %arg11[%get3A_386, %get3A_387, %get3A_388] {strides = array<i32>} : memref<16x2x512xf32, #tpu.memory_space<vmem>>, vector<16xf32>,
          %mul3A_390 = arith.constant 16 : i32
          %mul3A_391 = arith.muli %add3A_382, %mul3A_390 : i32
          %get3A_392 = arith.constant 1 : i32
          %get3A_393 = arith.index_cast %add3A_279 : i32 to index
          %get3A_394 = arith.index_cast %get3A_392 : i32 to index
          %get3A_395 = arith.index_cast %mul3A_391 : i32 to index
          %get3A_396 = tpu.vector_load %arg11[%get3A_393, %get3A_394, %get3A_395] {strides = array<i32>} : memref<16x2x512xf32, #tpu.memory_space<vmem>>, vector<16xf32>,
          %sub3A_397 = arith.constant 1.000000e+00 : f32
          %sub3A_398 = vector.broadcast %sub3A_397 : f32 to vector<16xf32>
          %sub3A_399 = arith.subf %sub3A_398, %get3A_389 : vector<16xf32>
          %mul3A_400 = arith.constant 6.300000e+01 : f32
          %mul3A_401 = vector.broadcast %mul3A_400 : f32 to vector<16xf32>
          %mul3A_402 = arith.mulf %sub3A_399, %mul3A_401 : vector<16xf32>
          %convert_element_type3A_403 = arith.fptosi %mul3A_402 : vector<16xf32> to vector<16xi32>
          %sub3A_404 = arith.constant 1.000000e+00 : f32
          %sub3A_405 = vector.broadcast %sub3A_404 : f32 to vector<16xf32>
          %sub3A_406 = arith.subf %sub3A_405, %get3A_396 : vector<16xf32>
          %mul3A_407 = arith.constant 6.300000e+01 : f32
          %mul3A_408 = vector.broadcast %mul3A_407 : f32 to vector<16xf32>
          %mul3A_409 = arith.mulf %sub3A_406, %mul3A_408 : vector<16xf32>
          %convert_element_type3A_410 = arith.fptosi %mul3A_409 : vector<16xf32> to vector<16xi32>
          %shift_left3A_411 = arith.constant 10 : i32
          %shift_left3A_412 = vector.broadcast %shift_left3A_411 : i32 to vector<16xi32>
          %shift_left3A_413 = arith.shli %convert_element_type3A_403, %shift_left3A_412 : vector<16xi32>
          %shift_left3A_414 = arith.constant 4 : i32
          %shift_left3A_415 = vector.broadcast %shift_left3A_414 : i32 to vector<16xi32>
          %shift_left3A_416 = arith.shli %convert_element_type3A_410, %shift_left3A_415 : vector<16xi32>
          %or3A_417 = arith.ori %shift_left3A_413, %shift_left3A_416 : vector<16xi32>
          %or3A_418 = arith.ori %or3A_417, %iota3A : vector<16xi32>
          %gather3A_419 = tpu.vector_load_idx %arg8[%or3A_418] : memref<65536xf32, #tpu.memory_space<vmem>>[vector<16xi32>], vector<16xf32>,
          %add3A_420 = arith.addf %add3A_376, %gather3A_419 : vector<16xf32>
          %scan3A_421 = arith.constant 3 : i32
          %scan3A_422 = arith.addi %scan3A_292, %scan3A_421 : i32
          %mul3A_423 = arith.constant 1 : i32
          %mul3A_424 = arith.muli %scan3A_422, %mul3A_423 : i32
          %add3A_425 = arith.constant 0 : i32
          %add3A_426 = arith.addi %add3A_425, %mul3A_424 : i32
          %mul3A_427 = arith.constant 16 : i32
          %mul3A_428 = arith.muli %add3A_426, %mul3A_427 : i32
          %get3A_429 = arith.constant 0 : i32
          %get3A_430 = arith.index_cast %add3A_279 : i32 to index
          %get3A_431 = arith.index_cast %get3A_429 : i32 to index
          %get3A_432 = arith.index_cast %mul3A_428 : i32 to index
          %get3A_433 = tpu.vector_load %arg11[%get3A_430, %get3A_431, %get3A_432] {strides = array<i32>} : memref<16x2x512xf32, #tpu.memory_space<vmem>>, vector<16xf32>,
          %mul3A_434 = arith.constant 16 : i32
          %mul3A_435 = arith.muli %add3A_426, %mul3A_434 : i32
          %get3A_436 = arith.constant 1 : i32
          %get3A_437 = arith.index_cast %add3A_279 : i32 to index
          %get3A_438 = arith.index_cast %get3A_436 : i32 to index
          %get3A_439 = arith.index_cast %mul3A_435 : i32 to index
          %get3A_440 = tpu.vector_load %arg11[%get3A_437, %get3A_438, %get3A_439] {strides = array<i32>} : memref<16x2x512xf32, #tpu.memory_space<vmem>>, vector<16xf32>,
          %sub3A_441 = arith.constant 1.000000e+00 : f32
          %sub3A_442 = vector.broadcast %sub3A_441 : f32 to vector<16xf32>
          %sub3A_443 = arith.subf %sub3A_442, %get3A_433 : vector<16xf32>
          %mul3A_444 = arith.constant 6.300000e+01 : f32
          %mul3A_445 = vector.broadcast %mul3A_444 : f32 to vector<16xf32>
          %mul3A_446 = arith.mulf %sub3A_443, %mul3A_445 : vector<16xf32>
          %convert_element_type3A_447 = arith.fptosi %mul3A_446 : vector<16xf32> to vector<16xi32>
          %sub3A_448 = arith.constant 1.000000e+00 : f32
          %sub3A_449 = vector.broadcast %sub3A_448 : f32 to vector<16xf32>
          %sub3A_450 = arith.subf %sub3A_449, %get3A_440 : vector<16xf32>
          %mul3A_451 = arith.constant 6.300000e+01 : f32
          %mul3A_452 = vector.broadcast %mul3A_451 : f32 to vector<16xf32>
          %mul3A_453 = arith.mulf %sub3A_450, %mul3A_452 : vector<16xf32>
          %convert_element_type3A_454 = arith.fptosi %mul3A_453 : vector<16xf32> to vector<16xi32>
          %shift_left3A_455 = arith.constant 10 : i32
          %shift_left3A_456 = vector.broadcast %shift_left3A_455 : i32 to vector<16xi32>
          %shift_left3A_457 = arith.shli %convert_element_type3A_447, %shift_left3A_456 : vector<16xi32>
          %shift_left3A_458 = arith.constant 4 : i32
          %shift_left3A_459 = vector.broadcast %shift_left3A_458 : i32 to vector<16xi32>
          %shift_left3A_460 = arith.shli %convert_element_type3A_454, %shift_left3A_459 : vector<16xi32>
          %or3A_461 = arith.ori %shift_left3A_457, %shift_left3A_460 : vector<16xi32>
          %or3A_462 = arith.ori %or3A_461, %iota3A : vector<16xi32>
          %gather3A_463 = tpu.vector_load_idx %arg8[%or3A_462] : memref<65536xf32, #tpu.memory_space<vmem>>[vector<16xi32>], vector<16xf32>,
          %add3A_464 = arith.addf %add3A_420, %gather3A_463 : vector<16xf32>
          %scan3A_465 = arith.constant 4 : i32
          %scan3A_466 = arith.addi %scan3A_292, %scan3A_465 : i32
          %mul3A_467 = arith.constant 1 : i32
          %mul3A_468 = arith.muli %scan3A_466, %mul3A_467 : i32
          %add3A_469 = arith.constant 0 : i32
          %add3A_470 = arith.addi %add3A_469, %mul3A_468 : i32
          %mul3A_471 = arith.constant 16 : i32
          %mul3A_472 = arith.muli %add3A_470, %mul3A_471 : i32
          %get3A_473 = arith.constant 0 : i32
          %get3A_474 = arith.index_cast %add3A_279 : i32 to index
          %get3A_475 = arith.index_cast %get3A_473 : i32 to index
          %get3A_476 = arith.index_cast %mul3A_472 : i32 to index
          %get3A_477 = tpu.vector_load %arg11[%get3A_474, %get3A_475, %get3A_476] {strides = array<i32>} : memref<16x2x512xf32, #tpu.memory_space<vmem>>, vector<16xf32>,
          %mul3A_478 = arith.constant 16 : i32
          %mul3A_479 = arith.muli %add3A_470, %mul3A_478 : i32
          %get3A_480 = arith.constant 1 : i32
          %get3A_481 = arith.index_cast %add3A_279 : i32 to index
          %get3A_482 = arith.index_cast %get3A_480 : i32 to index
          %get3A_483 = arith.index_cast %mul3A_479 : i32 to index
          %get3A_484 = tpu.vector_load %arg11[%get3A_481, %get3A_482, %get3A_483] {strides = array<i32>} : memref<16x2x512xf32, #tpu.memory_space<vmem>>, vector<16xf32>,
          %sub3A_485 = arith.constant 1.000000e+00 : f32
          %sub3A_486 = vector.broadcast %sub3A_485 : f32 to vector<16xf32>
          %sub3A_487 = arith.subf %sub3A_486, %get3A_477 : vector<16xf32>
          %mul3A_488 = arith.constant 6.300000e+01 : f32
          %mul3A_489 = vector.broadcast %mul3A_488 : f32 to vector<16xf32>
          %mul3A_490 = arith.mulf %sub3A_487, %mul3A_489 : vector<16xf32>
          %convert_element_type3A_491 = arith.fptosi %mul3A_490 : vector<16xf32> to vector<16xi32>
          %sub3A_492 = arith.constant 1.000000e+00 : f32
          %sub3A_493 = vector.broadcast %sub3A_492 : f32 to vector<16xf32>
          %sub3A_494 = arith.subf %sub3A_493, %get3A_484 : vector<16xf32>
          %mul3A_495 = arith.constant 6.300000e+01 : f32
          %mul3A_496 = vector.broadcast %mul3A_495 : f32 to vector<16xf32>
          %mul3A_497 = arith.mulf %sub3A_494, %mul3A_496 : vector<16xf32>
          %convert_element_type3A_498 = arith.fptosi %mul3A_497 : vector<16xf32> to vector<16xi32>
          %shift_left3A_499 = arith.constant 10 : i32
          %shift_left3A_500 = vector.broadcast %shift_left3A_499 : i32 to vector<16xi32>
          %shift_left3A_501 = arith.shli %convert_element_type3A_491, %shift_left3A_500 : vector<16xi32>
          %shift_left3A_502 = arith.constant 4 : i32
          %shift_left3A_503 = vector.broadcast %shift_left3A_502 : i32 to vector<16xi32>
          %shift_left3A_504 = arith.shli %convert_element_type3A_498, %shift_left3A_503 : vector<16xi32>
          %or3A_505 = arith.ori %shift_left3A_501, %shift_left3A_504 : vector<16xi32>
          %or3A_506 = arith.ori %or3A_505, %iota3A : vector<16xi32>
          %gather3A_507 = tpu.vector_load_idx %arg8[%or3A_506] : memref<65536xf32, #tpu.memory_space<vmem>>[vector<16xi32>], vector<16xf32>,
          %add3A_508 = arith.addf %add3A_464, %gather3A_507 : vector<16xf32>
          %scan3A_509 = arith.constant 5 : i32
          %scan3A_510 = arith.addi %scan3A_292, %scan3A_509 : i32
          %mul3A_511 = arith.constant 1 : i32
          %mul3A_512 = arith.muli %scan3A_510, %mul3A_511 : i32
          %add3A_513 = arith.constant 0 : i32
          %add3A_514 = arith.addi %add3A_513, %mul3A_512 : i32
          %mul3A_515 = arith.constant 16 : i32
          %mul3A_516 = arith.muli %add3A_514, %mul3A_515 : i32
          %get3A_517 = arith.constant 0 : i32
          %get3A_518 = arith.index_cast %add3A_279 : i32 to index
          %get3A_519 = arith.index_cast %get3A_517 : i32 to index
          %get3A_520 = arith.index_cast %mul3A_516 : i32 to index
          %get3A_521 = tpu.vector_load %arg11[%get3A_518, %get3A_519, %get3A_520] {strides = array<i32>} : memref<16x2x512xf32, #tpu.memory_space<vmem>>, vector<16xf32>,
          %mul3A_522 = arith.constant 16 : i32
          %mul3A_523 = arith.muli %add3A_514, %mul3A_522 : i32
          %get3A_524 = arith.constant 1 : i32
          %get3A_525 = arith.index_cast %add3A_279 : i32 to index
          %get3A_526 = arith.index_cast %get3A_524 : i32 to index
          %get3A_527 = arith.index_cast %mul3A_523 : i32 to index
          %get3A_528 = tpu.vector_load %arg11[%get3A_525, %get3A_526, %get3A_527] {strides = array<i32>} : memref<16x2x512xf32, #tpu.memory_space<vmem>>, vector<16xf32>,
          %sub3A_529 = arith.constant 1.000000e+00 : f32
          %sub3A_530 = vector.broadcast %sub3A_529 : f32 to vector<16xf32>
          %sub3A_531 = arith.subf %sub3A_530, %get3A_521 : vector<16xf32>
          %mul3A_532 = arith.constant 6.300000e+01 : f32
          %mul3A_533 = vector.broadcast %mul3A_532 : f32 to vector<16xf32>
          %mul3A_534 = arith.mulf %sub3A_531, %mul3A_533 : vector<16xf32>
          %convert_element_type3A_535 = arith.fptosi %mul3A_534 : vector<16xf32> to vector<16xi32>
          %sub3A_536 = arith.constant 1.000000e+00 : f32
          %sub3A_537 = vector.broadcast %sub3A_536 : f32 to vector<16xf32>
          %sub3A_538 = arith.subf %sub3A_537, %get3A_528 : vector<16xf32>
          %mul3A_539 = arith.constant 6.300000e+01 : f32
          %mul3A_540 = vector.broadcast %mul3A_539 : f32 to vector<16xf32>
          %mul3A_541 = arith.mulf %sub3A_538, %mul3A_540 : vector<16xf32>
          %convert_element_type3A_542 = arith.fptosi %mul3A_541 : vector<16xf32> to vector<16xi32>
          %shift_left3A_543 = arith.constant 10 : i32
          %shift_left3A_544 = vector.broadcast %shift_left3A_543 : i32 to vector<16xi32>
          %shift_left3A_545 = arith.shli %convert_element_type3A_535, %shift_left3A_544 : vector<16xi32>
          %shift_left3A_546 = arith.constant 4 : i32
          %shift_left3A_547 = vector.broadcast %shift_left3A_546 : i32 to vector<16xi32>
          %shift_left3A_548 = arith.shli %convert_element_type3A_542, %shift_left3A_547 : vector<16xi32>
          %or3A_549 = arith.ori %shift_left3A_545, %shift_left3A_548 : vector<16xi32>
          %or3A_550 = arith.ori %or3A_549, %iota3A : vector<16xi32>
          %gather3A_551 = tpu.vector_load_idx %arg8[%or3A_550] : memref<65536xf32, #tpu.memory_space<vmem>>[vector<16xi32>], vector<16xf32>,
          %add3A_552 = arith.addf %add3A_508, %gather3A_551 : vector<16xf32>
          %scan3A_553 = arith.constant 6 : i32
          %scan3A_554 = arith.addi %scan3A_292, %scan3A_553 : i32
          %mul3A_555 = arith.constant 1 : i32
          %mul3A_556 = arith.muli %scan3A_554, %mul3A_555 : i32
          %add3A_557 = arith.constant 0 : i32
          %add3A_558 = arith.addi %add3A_557, %mul3A_556 : i32
          %mul3A_559 = arith.constant 16 : i32
          %mul3A_560 = arith.muli %add3A_558, %mul3A_559 : i32
          %get3A_561 = arith.constant 0 : i32
          %get3A_562 = arith.index_cast %add3A_279 : i32 to index
          %get3A_563 = arith.index_cast %get3A_561 : i32 to index
          %get3A_564 = arith.index_cast %mul3A_560 : i32 to index
          %get3A_565 = tpu.vector_load %arg11[%get3A_562, %get3A_563, %get3A_564] {strides = array<i32>} : memref<16x2x512xf32, #tpu.memory_space<vmem>>, vector<16xf32>,
          %mul3A_566 = arith.constant 16 : i32
          %mul3A_567 = arith.muli %add3A_558, %mul3A_566 : i32
          %get3A_568 = arith.constant 1 : i32
          %get3A_569 = arith.index_cast %add3A_279 : i32 to index
          %get3A_570 = arith.index_cast %get3A_568 : i32 to index
          %get3A_571 = arith.index_cast %mul3A_567 : i32 to index
          %get3A_572 = tpu.vector_load %arg11[%get3A_569, %get3A_570, %get3A_571] {strides = array<i32>} : memref<16x2x512xf32, #tpu.memory_space<vmem>>, vector<16xf32>,
          %sub3A_573 = arith.constant 1.000000e+00 : f32
          %sub3A_574 = vector.broadcast %sub3A_573 : f32 to vector<16xf32>
          %sub3A_575 = arith.subf %sub3A_574, %get3A_565 : vector<16xf32>
          %mul3A_576 = arith.constant 6.300000e+01 : f32
          %mul3A_577 = vector.broadcast %mul3A_576 : f32 to vector<16xf32>
          %mul3A_578 = arith.mulf %sub3A_575, %mul3A_577 : vector<16xf32>
          %convert_element_type3A_579 = arith.fptosi %mul3A_578 : vector<16xf32> to vector<16xi32>
          %sub3A_580 = arith.constant 1.000000e+00 : f32
          %sub3A_581 = vector.broadcast %sub3A_580 : f32 to vector<16xf32>
          %sub3A_582 = arith.subf %sub3A_581, %get3A_572 : vector<16xf32>
          %mul3A_583 = arith.constant 6.300000e+01 : f32
          %mul3A_584 = vector.broadcast %mul3A_583 : f32 to vector<16xf32>
          %mul3A_585 = arith.mulf %sub3A_582, %mul3A_584 : vector<16xf32>
          %convert_element_type3A_586 = arith.fptosi %mul3A_585 : vector<16xf32> to vector<16xi32>
          %shift_left3A_587 = arith.constant 10 : i32
          %shift_left3A_588 = vector.broadcast %shift_left3A_587 : i32 to vector<16xi32>
          %shift_left3A_589 = arith.shli %convert_element_type3A_579, %shift_left3A_588 : vector<16xi32>
          %shift_left3A_590 = arith.constant 4 : i32
          %shift_left3A_591 = vector.broadcast %shift_left3A_590 : i32 to vector<16xi32>
          %shift_left3A_592 = arith.shli %convert_element_type3A_586, %shift_left3A_591 : vector<16xi32>
          %or3A_593 = arith.ori %shift_left3A_589, %shift_left3A_592 : vector<16xi32>
          %or3A_594 = arith.ori %or3A_593, %iota3A : vector<16xi32>
          %gather3A_595 = tpu.vector_load_idx %arg8[%or3A_594] : memref<65536xf32, #tpu.memory_space<vmem>>[vector<16xi32>], vector<16xf32>,
          %add3A_596 = arith.addf %add3A_552, %gather3A_595 : vector<16xf32>
          %scan3A_597 = arith.constant 7 : i32
          %scan3A_598 = arith.addi %scan3A_292, %scan3A_597 : i32
          %mul3A_599 = arith.constant 1 : i32
          %mul3A_600 = arith.muli %scan3A_598, %mul3A_599 : i32
          %add3A_601 = arith.constant 0 : i32
          %add3A_602 = arith.addi %add3A_601, %mul3A_600 : i32
          %mul3A_603 = arith.constant 16 : i32
          %mul3A_604 = arith.muli %add3A_602, %mul3A_603 : i32
          %get3A_605 = arith.constant 0 : i32
          %get3A_606 = arith.index_cast %add3A_279 : i32 to index
          %get3A_607 = arith.index_cast %get3A_605 : i32 to index
          %get3A_608 = arith.index_cast %mul3A_604 : i32 to index
          %get3A_609 = tpu.vector_load %arg11[%get3A_606, %get3A_607, %get3A_608] {strides = array<i32>} : memref<16x2x512xf32, #tpu.memory_space<vmem>>, vector<16xf32>,
          %mul3A_610 = arith.constant 16 : i32
          %mul3A_611 = arith.muli %add3A_602, %mul3A_610 : i32
          %get3A_612 = arith.constant 1 : i32
          %get3A_613 = arith.index_cast %add3A_279 : i32 to index
          %get3A_614 = arith.index_cast %get3A_612 : i32 to index
          %get3A_615 = arith.index_cast %mul3A_611 : i32 to index
          %get3A_616 = tpu.vector_load %arg11[%get3A_613, %get3A_614, %get3A_615] {strides = array<i32>} : memref<16x2x512xf32, #tpu.memory_space<vmem>>, vector<16xf32>,
          %sub3A_617 = arith.constant 1.000000e+00 : f32
          %sub3A_618 = vector.broadcast %sub3A_617 : f32 to vector<16xf32>
          %sub3A_619 = arith.subf %sub3A_618, %get3A_609 : vector<16xf32>
          %mul3A_620 = arith.constant 6.300000e+01 : f32
          %mul3A_621 = vector.broadcast %mul3A_620 : f32 to vector<16xf32>
          %mul3A_622 = arith.mulf %sub3A_619, %mul3A_621 : vector<16xf32>
          %convert_element_type3A_623 = arith.fptosi %mul3A_622 : vector<16xf32> to vector<16xi32>
          %sub3A_624 = arith.constant 1.000000e+00 : f32
          %sub3A_625 = vector.broadcast %sub3A_624 : f32 to vector<16xf32>
          %sub3A_626 = arith.subf %sub3A_625, %get3A_616 : vector<16xf32>
          %mul3A_627 = arith.constant 6.300000e+01 : f32
          %mul3A_628 = vector.broadcast %mul3A_627 : f32 to vector<16xf32>
          %mul3A_629 = arith.mulf %sub3A_626, %mul3A_628 : vector<16xf32>
          %convert_element_type3A_630 = arith.fptosi %mul3A_629 : vector<16xf32> to vector<16xi32>
          %shift_left3A_631 = arith.constant 10 : i32
          %shift_left3A_632 = vector.broadcast %shift_left3A_631 : i32 to vector<16xi32>
          %shift_left3A_633 = arith.shli %convert_element_type3A_623, %shift_left3A_632 : vector<16xi32>
          %shift_left3A_634 = arith.constant 4 : i32
          %shift_left3A_635 = vector.broadcast %shift_left3A_634 : i32 to vector<16xi32>
          %shift_left3A_636 = arith.shli %convert_element_type3A_630, %shift_left3A_635 : vector<16xi32>
          %or3A_637 = arith.ori %shift_left3A_633, %shift_left3A_636 : vector<16xi32>
          %or3A_638 = arith.ori %or3A_637, %iota3A : vector<16xi32>
          %gather3A_639 = tpu.vector_load_idx %arg8[%or3A_638] : memref<65536xf32, #tpu.memory_space<vmem>>[vector<16xi32>], vector<16xf32>,
          %add3A_640 = arith.addf %add3A_596, %gather3A_639 : vector<16xf32>
          scf.yield %add3A_640 : vector<16xf32>
        }
        %scan3A_287 = arith.constant 32 : i32
        %mul3A_288 = arith.constant 17 : i32
        %mul3A_289 = arith.muli %add3A_279, %mul3A_288 : i32
        %swap3A_290 = arith.index_cast %mul3A_289 : i32 to index
        %swap3A_291 = tpu.vector_load %arg9[%swap3A_290] {strides = array<i32>} : memref<272xf32, #tpu.memory_space<vmem>>, vector<16xf32>,
        tpu.vector_store %arg9[%swap3A_290], %scan3A_286 {strides = array<i32>} : memref<272xf32, #tpu.memory_space<vmem>>, vector<16xf32>,
      }
      %scan3A_181 = arith.constant 16 : i32
      %broadcast_in_dim3A_182 = arith.constant 0.000000e+00 : f32
      %broadcast_in_dim3A_183 = vector.broadcast %broadcast_in_dim3A_182 : f32 to vector<16xf32>
      %add3A_184 = arith.constant 0 : i32
      %add3A_185 = vector.broadcast %add3A_184 : i32 to vector<16xi32>
      %add3A_186 = arith.addi %mul3A_6, %add3A_185 : vector<16xi32>
      %gather3A_187 = tpu.vector_load_idx %arg9[%add3A_186] : memref<272xf32, #tpu.memory_space<vmem>>[vector<16xi32>], vector<16xf32>,
      %add3A_188 = arith.addf %broadcast_in_dim3A_183, %gather3A_187 : vector<16xf32>
      %add3A_189 = arith.constant 1 : i32
      %add3A_190 = vector.broadcast %add3A_189 : i32 to vector<16xi32>
      %add3A_191 = arith.addi %mul3A_6, %add3A_190 : vector<16xi32>
      %gather3A_192 = tpu.vector_load_idx %arg9[%add3A_191] : memref<272xf32, #tpu.memory_space<vmem>>[vector<16xi32>], vector<16xf32>,
      %add3A_193 = arith.addf %add3A_188, %gather3A_192 : vector<16xf32>
      %add3A_194 = arith.constant 2 : i32
      %add3A_195 = vector.broadcast %add3A_194 : i32 to vector<16xi32>
      %add3A_196 = arith.addi %mul3A_6, %add3A_195 : vector<16xi32>
      %gather3A_197 = tpu.vector_load_idx %arg9[%add3A_196] : memref<272xf32, #tpu.memory_space<vmem>>[vector<16xi32>], vector<16xf32>,
      %add3A_198 = arith.addf %add3A_193, %gather3A_197 : vector<16xf32>
      %add3A_199 = arith.constant 3 : i32
      %add3A_200 = vector.broadcast %add3A_199 : i32 to vector<16xi32>
      %add3A_201 = arith.addi %mul3A_6, %add3A_200 : vector<16xi32>
      %gather3A_202 = tpu.vector_load_idx %arg9[%add3A_201] : memref<272xf32, #tpu.memory_space<vmem>>[vector<16xi32>], vector<16xf32>,
      %add3A_203 = arith.addf %add3A_198, %gather3A_202 : vector<16xf32>
      %add3A_204 = arith.constant 4 : i32
      %add3A_205 = vector.broadcast %add3A_204 : i32 to vector<16xi32>
      %add3A_206 = arith.addi %mul3A_6, %add3A_205 : vector<16xi32>
      %gather3A_207 = tpu.vector_load_idx %arg9[%add3A_206] : memref<272xf32, #tpu.memory_space<vmem>>[vector<16xi32>], vector<16xf32>,
      %add3A_208 = arith.addf %add3A_203, %gather3A_207 : vector<16xf32>
      %add3A_209 = arith.constant 5 : i32
      %add3A_210 = vector.broadcast %add3A_209 : i32 to vector<16xi32>
      %add3A_211 = arith.addi %mul3A_6, %add3A_210 : vector<16xi32>
      %gather3A_212 = tpu.vector_load_idx %arg9[%add3A_211] : memref<272xf32, #tpu.memory_space<vmem>>[vector<16xi32>], vector<16xf32>,
      %add3A_213 = arith.addf %add3A_208, %gather3A_212 : vector<16xf32>
      %add3A_214 = arith.constant 6 : i32
      %add3A_215 = vector.broadcast %add3A_214 : i32 to vector<16xi32>
      %add3A_216 = arith.addi %mul3A_6, %add3A_215 : vector<16xi32>
      %gather3A_217 = tpu.vector_load_idx %arg9[%add3A_216] : memref<272xf32, #tpu.memory_space<vmem>>[vector<16xi32>], vector<16xf32>,
      %add3A_218 = arith.addf %add3A_213, %gather3A_217 : vector<16xf32>
      %add3A_219 = arith.constant 7 : i32
      %add3A_220 = vector.broadcast %add3A_219 : i32 to vector<16xi32>
      %add3A_221 = arith.addi %mul3A_6, %add3A_220 : vector<16xi32>
      %gather3A_222 = tpu.vector_load_idx %arg9[%add3A_221] : memref<272xf32, #tpu.memory_space<vmem>>[vector<16xi32>], vector<16xf32>,
      %add3A_223 = arith.addf %add3A_218, %gather3A_222 : vector<16xf32>
      %add3A_224 = arith.constant 8 : i32
      %add3A_225 = vector.broadcast %add3A_224 : i32 to vector<16xi32>
      %add3A_226 = arith.addi %mul3A_6, %add3A_225 : vector<16xi32>
      %gather3A_227 = tpu.vector_load_idx %arg9[%add3A_226] : memref<272xf32, #tpu.memory_space<vmem>>[vector<16xi32>], vector<16xf32>,
      %add3A_228 = arith.addf %add3A_223, %gather3A_227 : vector<16xf32>
      %add3A_229 = arith.constant 9 : i32
      %add3A_230 = vector.broadcast %add3A_229 : i32 to vector<16xi32>
      %add3A_231 = arith.addi %mul3A_6, %add3A_230 : vector<16xi32>
      %gather3A_232 = tpu.vector_load_idx %arg9[%add3A_231] : memref<272xf32, #tpu.memory_space<vmem>>[vector<16xi32>], vector<16xf32>,
      %add3A_233 = arith.addf %add3A_228, %gather3A_232 : vector<16xf32>
      %add3A_234 = arith.constant 10 : i32
      %add3A_235 = vector.broadcast %add3A_234 : i32 to vector<16xi32>
      %add3A_236 = arith.addi %mul3A_6, %add3A_235 : vector<16xi32>
      %gather3A_237 = tpu.vector_load_idx %arg9[%add3A_236] : memref<272xf32, #tpu.memory_space<vmem>>[vector<16xi32>], vector<16xf32>,
      %add3A_238 = arith.addf %add3A_233, %gather3A_237 : vector<16xf32>
      %add3A_239 = arith.constant 11 : i32
      %add3A_240 = vector.broadcast %add3A_239 : i32 to vector<16xi32>
      %add3A_241 = arith.addi %mul3A_6, %add3A_240 : vector<16xi32>
      %gather3A_242 = tpu.vector_load_idx %arg9[%add3A_241] : memref<272xf32, #tpu.memory_space<vmem>>[vector<16xi32>], vector<16xf32>,
      %add3A_243 = arith.addf %add3A_238, %gather3A_242 : vector<16xf32>
      %add3A_244 = arith.constant 12 : i32
      %add3A_245 = vector.broadcast %add3A_244 : i32 to vector<16xi32>
      %add3A_246 = arith.addi %mul3A_6, %add3A_245 : vector<16xi32>
      %gather3A_247 = tpu.vector_load_idx %arg9[%add3A_246] : memref<272xf32, #tpu.memory_space<vmem>>[vector<16xi32>], vector<16xf32>,
      %add3A_248 = arith.addf %add3A_243, %gather3A_247 : vector<16xf32>
      %add3A_249 = arith.constant 13 : i32
      %add3A_250 = vector.broadcast %add3A_249 : i32 to vector<16xi32>
      %add3A_251 = arith.addi %mul3A_6, %add3A_250 : vector<16xi32>
      %gather3A_252 = tpu.vector_load_idx %arg9[%add3A_251] : memref<272xf32, #tpu.memory_space<vmem>>[vector<16xi32>], vector<16xf32>,
      %add3A_253 = arith.addf %add3A_248, %gather3A_252 : vector<16xf32>
      %add3A_254 = arith.constant 14 : i32
      %add3A_255 = vector.broadcast %add3A_254 : i32 to vector<16xi32>
      %add3A_256 = arith.addi %mul3A_6, %add3A_255 : vector<16xi32>
      %gather3A_257 = tpu.vector_load_idx %arg9[%add3A_256] : memref<272xf32, #tpu.memory_space<vmem>>[vector<16xi32>], vector<16xf32>,
      %add3A_258 = arith.addf %add3A_253, %gather3A_257 : vector<16xf32>
      %add3A_259 = arith.constant 15 : i32
      %add3A_260 = vector.broadcast %add3A_259 : i32 to vector<16xi32>
      %add3A_261 = arith.addi %mul3A_6, %add3A_260 : vector<16xi32>
      %gather3A_262 = tpu.vector_load_idx %arg9[%add3A_261] : memref<272xf32, #tpu.memory_space<vmem>>[vector<16xi32>], vector<16xf32>,
      %add3A_263 = arith.addf %add3A_258, %gather3A_262 : vector<16xf32>
      %mul3A_264 = arith.constant 16 : i32
      %mul3A_265 = arith.muli %add3A_167, %mul3A_264 : i32
      %swap3A_266 = arith.index_cast %mul3A_265 : i32 to index
      %swap3A_267 = tpu.vector_load %arg12[%swap3A_266] {strides = array<i32>} : memref<224xf32, #tpu.memory_space<vmem>>, vector<16xf32>,
      tpu.vector_store %arg12[%swap3A_266], %add3A_263 {strides = array<i32>} : memref<224xf32, #tpu.memory_space<vmem>>, vector<16xf32>,
      %add3A_268 = arith.constant 2 : i32
      %add3A_269 = arith.addi %add3A_167, %add3A_268 : i32
      %lt3A_270 = arith.constant 14 : i32
      %lt3A_271 = arith.cmpi slt, %add3A_269, %lt3A_270 : i32
      %convert_element_type3A_272 = arith.extui %lt3A_271 : i1 to i32
      %cond3A_273 = arith.constant 0 : i32
      %cond3A_274 = arith.cmpi ne, %convert_element_type3A_272, %cond3A_273 : i32
      scf.if %cond3A_274 {
        %add3A_275 = arith.constant 2 : i32
        %add3A_276 = arith.addi %add3A_167, %add3A_275 : i32
        %mul3A_277 = arith.constant 16 : i32
        %mul3A_278 = arith.muli %add3A_276, %mul3A_277 : i32
        %add3A_279 = arith.addi %mul3A_2, %mul3A_278 : i32
        %dma_start3A_280 = arith.constant 0 : i32
        %dma_start3A_281 = arith.constant 0 : i32
        %dma_start3A_282 = tpu.memref_slice %arg2[%add3A_279, %dma_start3A_280, %dma_start3A_281] : memref<16384x2x512xf32, #tpu.memory_space<hbm>> -> memref<16x2x512xf32, #tpu.memory_space<hbm>>
        %dma_start3A_283 = arith.constant 0 : i32
        %dma_start3A_284 = arith.constant 0 : i32
        %dma_start3A_285 = tpu.memref_slice %arg2[%add3A_279, %dma_start3A_283, %dma_start3A_284] : memref<16384x2x512xf32, #tpu.memory_space<hbm>> -> memref<16x2x512xf32, #tpu.memory_space<hbm>>
        tpu.enqueue_dma source(%dma_start3A_285 : memref<16x2x512xf32, #tpu.memory_space<hbm>>) target(%arg11 : memref<16x2x512xf32, #tpu.memory_space<vmem>>) target_semaphore(%arg14 : memref<!tpu.dma_semaphore, #tpu.memory_space<semaphore_mem>>)
      } else {
      }
    }
    %scan3A_59 = arith.constant 7 : i32
    "tpu.region"() ({
      %run_scoped3A = tpu.sem_alloc : memref<!tpu.dma_semaphore, #tpu.memory_space<semaphore_mem>>
      %dma_start3A_60 = tpu.memref_slice %arg5[%mul3A_2] : memref<7168xf32, #tpu.memory_space<hbm>> -> memref<224xf32, #tpu.memory_space<hbm>>
      %dma_start3A_61 = tpu.memref_slice %arg5[%mul3A_2] : memref<7168xf32, #tpu.memory_space<hbm>> -> memref<224xf32, #tpu.memory_space<hbm>>
      tpu.enqueue_dma source(%arg12 : memref<224xf32, #tpu.memory_space<vmem>>) target(%dma_start3A_61 : memref<224xf32, #tpu.memory_space<hbm>>) target_semaphore(%run_scoped3A : memref<!tpu.dma_semaphore, #tpu.memory_space<semaphore_mem>>)
      %dma_wait3A = tpu.memref_slice %arg5[%mul3A_2] : memref<7168xf32, #tpu.memory_space<hbm>> -> memref<224xf32, #tpu.memory_space<hbm>>
      %dma_wait3A_62 = tpu.memref_slice %arg5[%mul3A_2] : memref<7168xf32, #tpu.memory_space<hbm>> -> memref<224xf32, #tpu.memory_space<hbm>>
      tpu.wait_dma2 semaphore(%run_scoped3A : memref<!tpu.dma_semaphore, #tpu.memory_space<semaphore_mem>>) src(%arg12 : memref<224xf32, #tpu.memory_space<vmem>>) dst(%dma_wait3A_62 : memref<224xf32, #tpu.memory_space<hbm>>)
      tpu.yield
    }) : () -> ()
    return
  }
}

module attributes {stable_mosaic.version = 14 : i64} {
  func.func @_tc_body(%arg0: i32, %arg1: memref<1x128xf32, #tpu.memory_space<vmem>>, %arg2: memref<16xf32, #tpu.memory_space<vmem>>, %arg3: memref<512x2x512xf32, #tpu.memory_space<vmem>>, %arg4: memref<512x1xf32, #tpu.memory_space<vmem>>) attributes {dimension_semantics = [#tpu.dimension_semantics<arbitrary>], iteration_bounds = array<i64: 18>, scalar_prefetch = 0 : i64, scratch_operands = 0 : i64, tpu.core_type = #tpu.core_type<tc>, window_params = [{pipeline_mode = #tpu.pipeline_mode<synchronous>, transform_indices = @transform_0, window_bounds = array<i64: 1, 128>}, {pipeline_mode = #tpu.pipeline_mode<synchronous>, transform_indices = @transform_1, window_bounds = array<i64: 16>}, {transform_indices = @transform_2, window_bounds = array<i64: 512, 2, 512>}, {transform_indices = @transform_3, window_bounds = array<i64: 512, 1>}]} {
    %get3A = arith.constant 0 : index
    %get3A_0 = arith.constant 0 : index
    %get3A_1 = arith.constant 0 : index
    %get3A_2 = vector.load %arg3[%get3A, %get3A_0, %get3A_1] : memref<512x2x512xf32, #tpu.memory_space<vmem>>, vector<512x2x512xf32>
    %sub3A = arith.constant 1.000000e+00 : f32
    %sub3A_3 = vector.broadcast %sub3A : f32 to vector<512x2x512xf32>
    %sub3A_4 = arith.subf %sub3A_3, %get3A_2 : vector<512x2x512xf32>
    %mul3A = arith.constant 6.300000e+01 : f32
    %mul3A_5 = vector.broadcast %mul3A : f32 to vector<512x2x512xf32>
    %mul3A_6 = arith.mulf %sub3A_4, %mul3A_5 : vector<512x2x512xf32>
    %convert_element_type3A = arith.fptosi %mul3A_6 : vector<512x2x512xf32> to vector<512x2x512xi32>
    %slice3A = vector.extract_strided_slice %convert_element_type3A {offsets = [0, 0, 0], sizes = [512, 1, 512], strides = [1, 1, 1]} : vector<512x2x512xi32> to vector<512x1x512xi32>
    %squeeze3A = vector.shape_cast %slice3A : vector<512x1x512xi32> to vector<512x512xi32>
    %slice3A_7 = vector.extract_strided_slice %convert_element_type3A {offsets = [0, 1, 0], sizes = [512, 1, 512], strides = [1, 1, 1]} : vector<512x2x512xi32> to vector<512x1x512xi32>
    %squeeze3A_8 = vector.shape_cast %slice3A_7 : vector<512x1x512xi32> to vector<512x512xi32>
    %max3A = arith.maxsi %squeeze3A, %squeeze3A_8 : vector<512x512xi32>
    %convert_element_type3A_9 = arith.sitofp %max3A : vector<512x512xi32> to vector<512x512xf32>
    %sub3A_10 = arith.subi %squeeze3A, %squeeze3A_8 : vector<512x512xi32>
    %and3A = arith.constant 127 : i32
    %and3A_11 = vector.broadcast %and3A : i32 to vector<512x512xi32>
    %and3A_12 = arith.andi %sub3A_10, %and3A_11 : vector<512x512xi32>
    %get3A_13 = arith.constant 0 : index
    %get3A_14 = arith.constant 0 : index
    %get3A_15 = vector.load %arg1[%get3A_13, %get3A_14] : memref<1x128xf32, #tpu.memory_space<vmem>>, vector<1x128xf32>
    %get3A_16 = vector.shape_cast %get3A_15 : vector<1x128xf32> to vector<128xf32>
    %broadcast_in_dim3A = vector.shape_cast %get3A_16 : vector<128xf32> to vector<1x128xf32>
    %broadcast_in_dim3A_17 = vector.broadcast %broadcast_in_dim3A : vector<1x128xf32> to vector<512x128xf32>
    %lt3A = arith.constant 0 : i32
    %lt3A_18 = vector.broadcast %lt3A : i32 to vector<512x512xi32>
    %lt3A_19 = arith.cmpi slt, %and3A_12, %lt3A_18 : vector<512x512xi32>
    %add3A = arith.constant 128 : i32
    %add3A_20 = vector.broadcast %add3A : i32 to vector<512x512xi32>
    %add3A_21 = arith.addi %and3A_12, %add3A_20 : vector<512x512xi32>
    %select_n3A = arith.select %lt3A_19, %add3A_21, %and3A_12 : vector<512x512xi1>, vector<512x512xi32>
    %reshape3A = vector.shape_cast %select_n3A : vector<512x512xi32> to vector<512x512x1xi32>
    %gather3A = vector.shape_cast %reshape3A : vector<512x512x1xi32> to vector<512x512xi32>
    %gather3A_22 = tpu.dynamic_gather %broadcast_in_dim3A_17[%gather3A] in [1] : vector<512x128xf32>, vector<512x512xi32> -> vector<512x512xf32>
    %sub3A_23 = arith.constant 2.000000e+00 : f32
    %sub3A_24 = vector.broadcast %sub3A_23 : f32 to vector<512x512xf32>
    %sub3A_25 = arith.subf %sub3A_24, %convert_element_type3A_9 : vector<512x512xf32>
    %get3A_26 = arith.constant 0 : index
    %get3A_27 = vector.load %arg2[%get3A_26] : memref<16xf32, #tpu.memory_space<vmem>>, vector<1xf32>
    %get3A_28 = vector.extract %get3A_27[0] : f32 from vector<1xf32>
    %mul3A_29 = vector.broadcast %get3A_28 : f32 to vector<512x512xf32>
    %mul3A_30 = arith.mulf %sub3A_25, %mul3A_29 : vector<512x512xf32>
    %sub3A_31 = arith.subf %gather3A_22, %mul3A_30 : vector<512x512xf32>
    %exp3A = math.exp %sub3A_31 : vector<512x512xf32>
    %reduce_sum3A = arith.constant dense<0.000000e+00> : vector<512xf32>
    %reduce_sum3A_32 = vector.multi_reduction <add>, %exp3A, %reduce_sum3A [1] : vector<512x512xf32> to vector<512xf32>
    %broadcast_in_dim3A_33 = vector.shape_cast %reduce_sum3A_32 : vector<512xf32> to vector<512x1xf32>
    %swap3A = arith.constant 0 : index
    %swap3A_34 = arith.constant 0 : index
    %swap3A_35 = vector.load %arg4[%swap3A, %swap3A_34] : memref<512x1xf32, #tpu.memory_space<vmem>>, vector<512x1xf32>
    tpu.vector_store %arg4[%swap3A, %swap3A_34], %broadcast_in_dim3A_33 {strides = array<i32>} : memref<512x1xf32, #tpu.memory_space<vmem>>, vector<512x1xf32>,
    return
  }
  func.func @transform_0(%arg0: i32) -> (i32, i32) {
    %c0_i32 = arith.constant 0 : i32
    %c0_i32_0 = arith.constant 0 : i32
    %c0_i32_1 = arith.constant 0 : i32
    return %c0_i32, %c0_i32_0 : i32, i32
  }
  func.func @transform_1(%arg0: i32) -> i32 {
    %c0_i32 = arith.constant 0 : i32
    %c0_i32_0 = arith.constant 0 : i32
    return %c0_i32 : i32
  }
  func.func @transform_2(%arg0: i32) -> (i32, i32, i32) {
    %add3A = arith.constant 14 : i32
    %add3A_0 = arith.addi %add3A, %arg0 : i32
    %c0_i32 = arith.constant 0 : i32
    %c0_i32_1 = arith.constant 0 : i32
    %c0_i32_2 = arith.constant 0 : i32
    return %add3A_0, %c0_i32, %c0_i32_1 : i32, i32, i32
  }
  func.func @transform_3(%arg0: i32) -> (i32, i32) {
    %c0_i32 = arith.constant 0 : i32
    %c0_i32_0 = arith.constant 0 : i32
    return %arg0, %c0_i32 : i32, i32
  }
}

</mosaic_0001>

<sc_bundles>
// kernel: kernel.4.cloned.1.call-start
scs
__scs_entry_jumppad:
0x0: {  	(pc) =	sbr.rel $0x88, $3  }
0x1: {  	(tag) =	ssettag $0x0;
	lr =	simm.s32 $0x1  }
0x2: {  	[smem:$0x3F9E] =	sst lr;
	_ =	strace $0xD0000000  }
0x3: {  	_ = 	snop  }
0x4: {  	_ = 	snop  }
0x5: {  	_ = 	snop  }
0x6: {  	_ = 	snop  }
0x7: {  	_ = 	snop  }
__scs_overlays_trampoline_lowered:
0x8: {  	[smem:$0x3FAD] =	sst s0  }
0x9: {  	[smem:$0x3FAE] =	sst s1  }
0xa: {  	[smem:$0x3FAF] =	sst s2  }
0xb: {  	[smem:$0x3FB0] =	sst s3  }
0xc: {  	[smem:$0x3FB1] =	sst s4  }
0xd: {  	[smem:$0x3FB2] =	sst s5  }
0xe: {  	[smem:$0x3FB3] =	sst s6  }
0xf: {  	[smem:$0x3FB4] =	sst s7  }
0x10: {  	[smem:$0x3FB5] =	sst s8  }
0x11: {  	[smem:$0x3FB6] =	sst s9;
	s0 =	simm.s32 @!p0 $0x0  }
0x12: {  	s1 =	sld [smem:$0x3F9C];
	s0 =	simm.s32 @p0 $0x1  }
0x13: {  	[smem:$0x3FB7] =	sst s0;
	s0 =	simm.s32 @!p1 $0x0  }
0x14: {  	s2 =	sld [smem:$0x3F9B];
	s0 =	simm.s32 @p1 $0x1  }
0x15: {  	[smem:$0x3FB8] =	sst s0;
	s0 =	simm.s32 @!p2 $0x0  }
0x16: {  	s3 =	sld [smem:$0x3FDB];
	s0 =	simm.s32 @p2 $0x1  }
0x17: {  	s4 =	simm.s32 $0x1BF5;
	[smem:$0x3FBA] =	sst s0  }
0x18: {  	s0 =	sld [smem:$0x3F9D];
	_ =	swait.ge [sflag:s4], $0x0  }
0x19: {  	s7 =	sld [smem:$0x3F9E]  }
0x1a: {  	s8 =	sadd.s32 $0xFFFFE003, lr  }
0x1b: {  	s9 =	sadd.s32 $0xFFFFFEF7, lr;
	s5 =	simm.s32 $0xFFFFFFFF;
	p2 =	slt.u32 s8, $0xFFFFF086  }
0x1c: {  	p1 =	slt.u32 s9, $0xF7A;
	s5 =	simm.s32 @!p2 $0x0  }
0x1d: {  	s5 =	simm.s32 @p1 $0x1;
	p0 =	seq.s32 s7, s2  }
0x1e: {  	s7 =	smul.u32 @!p0 $0xF7A, s2;
	p2 =	seq.s32 @!p0 s5, $0x0  }
0x1f: {  	s9 =	smul.u32 $0xF7A, s1;
	s8 =	simm.s32 @!p0 $0x1BF5;
	p2 =	por !p2, p0  }
0x20: {  	[sflag:s8] =	ssyncset.s32 @!p0 $0xFFFFF086;
	s6 =	sadd.s32 @!p0 s3, s7;
	s7 =	simm.s32 @!p0 $0x108  }
0x21: {  	s3 =	sadd.s32 s3, s9;
	s6 =	sadd.s32 @!p0 $0x88, s6;
	s7 =	simm.s32 @p2 $0x1082  }
0x22: {  	[simem:s7], [sflag:s8] =	dma.local @!p0 [hbm:s6], $0xF7A  }
0x23: {  	s9 =	sor.u32 $0xD0000000, s2;
	s6 =	simm.s32 $0x108;
	_ =	swait.ge @!p0 [sflag:s8], $0x0  }
0x24: {  	s3 =	sadd.s32 $0x88, s3;
	s6 =	simm.s32 @!p1 $0x1082;
	[sflag:s4] =	ssyncset.s32 $0xFFFFF086  }
0x25: {  	[simem:s6], [sflag:s4] =	dma.local [hbm:s3], $0xF7A  }
0x26: {  	[smem:$0x3F9E] =	sst s1;
	(tag) =	ssettag s2;
	_ =	strace s9  }
0x27: {  	s1 =	sld [smem:$0x3FAE]  }
0x28: {  	s2 =	sld [smem:$0x3FAF]  }
0x29: {  	s4 =	sld [smem:$0x3FB1]  }
0x2a: {  	p0 =	seq.s32 s5, $0x0;
	s5 =	sld [smem:$0x3FB2]  }
0x2b: {  	s6 =	sld [smem:$0x3FB3]  }
0x2c: {  	s7 =	sld [smem:$0x3FB4]  }
0x2d: {  	s3 =	simm.s32 $0x108;
	s8 =	sld [smem:$0x3FB5]  }
0x2e: {  	s3 =	simm.s32 @!p0 $0x1082;
	s9 =	sld [smem:$0x3FB6]  }
0x2f: {  	lr =	sadd.s32 s0, s3;
	s0 =	sld [smem:$0x3FAD]  }
0x30: {  	s3 =	sld [smem:$0x3FB0]  }
0x31: {  	[smem:$0x3FB9] =	sst s10  }
0x32: {  	s10 =	sld [smem:$0x3FB7];
	_ =	sdelay $0x3  }
0x33: {  	p0 =	seq.s32 s10, $0x1;
	s10 =	sld [smem:$0x3FB9];
	_ =	sdelay $0x3  }
0x34: {  	[smem:$0x3FB9] =	sst s10  }
0x35: {  	s10 =	sld [smem:$0x3FB8];
	_ =	sdelay $0x3  }
0x36: {  	p1 =	seq.s32 s10, $0x1;
	s10 =	sld [smem:$0x3FB9];
	_ =	sdelay $0x3  }
0x37: {  	[smem:$0x3FB9] =	sst s10  }
0x38: {  	s10 =	sld [smem:$0x3FBA]  }
0x39: {  	_ = 	snop;
	(pc) =	sbr.ind lr, $3  }
0x3a: {  	_ = 	snop  }
0x3b: {  	_ = 	snop  }
0x3c: {  	p2 =	seq.s32 s10, $0x1;
	s10 =	sld [smem:$0x3FB9]  }
0x3d: {  	_ =	shalt  }
0x3e: {  	_ =	shalt  }
0x3f: {  	_ =	shalt  }
0x40: {  	_ =	shalt  }
0x41: {  	_ =	shalt  }
0x42: {  	_ =	shalt  }
0x43: {  	_ =	shalt  }
0x44: {  	_ =	shalt  }
0x45: {  	_ =	shalt  }
0x46: {  	_ =	shalt  }
0x47: {  	_ =	shalt  }
0x48: {  	_ =	shalt  }
0x49: {  	_ =	shalt  }
0x4a: {  	_ =	shalt  }
0x4b: {  	_ =	shalt  }
0x4c: {  	_ =	shalt  }
0x4d: {  	_ =	shalt  }
0x4e: {  	_ =	shalt  }
0x4f: {  	_ =	shalt  }
0x50: {  	_ =	shalt  }
0x51: {  	_ =	shalt  }
0x52: {  	_ =	shalt  }
0x53: {  	_ =	shalt  }
0x54: {  	_ =	shalt  }
0x55: {  	_ =	shalt  }
0x56: {  	_ =	shalt  }
0x57: {  	_ =	shalt  }
0x58: {  	_ =	shalt  }
0x59: {  	_ =	shalt  }
0x5a: {  	_ =	shalt  }
0x5b: {  	_ =	shalt  }
0x5c: {  	_ =	shalt  }
0x5d: {  	_ =	shalt  }
0x5e: {  	_ =	shalt  }
0x5f: {  	_ =	shalt  }
0x60: {  	_ =	shalt  }
0x61: {  	_ =	shalt  }
0x62: {  	_ =	shalt  }
0x63: {  	_ =	shalt  }
0x64: {  	_ =	shalt  }
0x65: {  	_ =	shalt  }
0x66: {  	_ =	shalt  }
0x67: {  	_ =	shalt  }
0x68: {  	_ =	shalt  }
0x69: {  	_ =	shalt  }
0x6a: {  	_ =	shalt  }
0x6b: {  	_ =	shalt  }
0x6c: {  	_ =	shalt  }
0x6d: {  	_ =	shalt  }
0x6e: {  	_ =	shalt  }
0x6f: {  	_ =	shalt  }
0x70: {  	_ =	shalt  }
0x71: {  	_ =	shalt  }
0x72: {  	_ =	shalt  }
0x73: {  	_ =	shalt  }
0x74: {  	_ =	shalt  }
0x75: {  	_ =	shalt  }
0x76: {  	_ =	shalt  }
0x77: {  	_ =	shalt  }
0x78: {  	_ =	shalt  }
0x79: {  	_ =	shalt  }
0x7a: {  	_ =	shalt  }
0x7b: {  	_ =	shalt  }
0x7c: {  	_ =	shalt  }
0x7d: {  	_ =	shalt  }
0x7e: {  	_ =	shalt  }
0x7f: {  	_ =	shalt  }
0x80: {  	_ =	shalt  }
0x81: {  	_ =	shalt  }
0x82: {  	_ =	shalt  }
0x83: {  	_ =	shalt  }
0x84: {  	_ =	shalt  }
0x85: {  	_ =	shalt  }
0x86: {  	_ =	shalt  }
0x87: {  	_ =	shalt  }
.Lfunc_end0:
.L_simem_size_0:
called_computation_lowered:
.L_overlay_start_0:
0x88: {  	s2 =	sld [smem:$0x3FD9]  }
0x89: {  	s3 =	sld [smem:$0x3FFE];
	_ =	sdelay $0x1  }
0x8a: {  	s1 =	srdreg.scid  }
0x8b: {  	s0 =	sand.u32 $0x1, s1  }
0x8c: {  	s17 =	sshll.u32 s0, $0xA;
	s2 =	sadd.s32 s3, s2  }
0x8d: {  	s2 =	sadd.s32 s2, s17  }
0x8e: {  	[smem:$0x3FC5] =	sst s2  }
0x8f: {  	_ = 	snop  }
0x90: {  	s2 =	sld [smem:$0x3FC9]  }
0x91: {  	s18 =	sld [smem:$0x3FC8]  }
0x92: {  	s4 =	sld [smem:$0x3FD0];
	(tm) =	ssettm $0x1  }
0x93: {  	s5 =	sld [smem:$0x3FFB];
	_ =	sdelay $0x3  }
0x94: {  	_ =	strace s5  }
0x95: {  	s5 =	sld [smem:$0x3FFC];
	_ =	sdelay $0x3  }
0x96: {  	_ =	strace s5  }
0x97: {  	s5 =	sld [smem:$0x3FFD];
	_ =	sdelay $0x3  }
0x98: {  	_ =	strace s5  }
0x99: {  	_ =	strace $0x8FFFFFFF  }
0x9a: {  	s19 =	sld [smem:$0x3FDB];
	_ =	sdelay $0x1  }
0x9b: {  	s6 =	simm.s32 $_scs_section_size  }
0x9c: {  	s7 =	simm.s32 $_size__tile_overlayer_lowered;
	s8 =	simm.s32 $_tile_overlayer_lowered  }
0x9d: {  	s22 =	simm.s32 $0x1BFF;
	s21 =	sshll.u32 s8, $0x1;
	s5 =	sadd.s32 s6, s19  }
0x9e: {  	s9 =	simm.s32 $0x0;
	s20 =	sshll.u32 s7, $0x1;
	s7 =	sadd.s32 s21, s5  }
0x9f: {  	[timem:s9], [sflag:s22] =	dma.local [hbm:s7], s20  }
0xa0: {  	_ =	swait.ge [sflag:s22], s20  }
0xa1: {  	s6 =	ssub.s32 $0x0, s20;
	[sflag:s22] =	ssyncset.done $0x0  }
0xa2: {  	[sflag:s22] =	ssyncadd.s32 s6;
	_ =	sdelay $0x1  }
0xa3: {  	s23 =	simm.s32 $0x1B8B  }
0xa4: {  	_ =	swait.ge [sflag:s23], $0x1  }
0xa5: {  	[sflag:s23] =	ssyncset.done $0x0  }
0xa6: {  	s25 =	simm.s32 $0x1B8E;
	s24 =	sld [smem:$0x3FFE];
	[sflag:s23] =	ssyncadd.s32 $0xFFFFFFFF  }
0xa7: {  	s26 =	simm.s32 $execute0_lowered;
	[smem:$0x3FD2] =	sst s25  }
0xa8: {  	s7 =	sshll.u32 s26, $0x1;
	_ =	strace $0x80000046;
	[dreg:$0x1] =	wrdreg $0xFFFFFFFF  }
0xa9: {  	s28 =	simm.s32 $_size_execute0_lowered;
	s5 =	sadd.s32 s5, s7;
	[dreg:$0x0] =	wrdreg $0x0  }
0xaa: {  	s7 =	sshll.u32 s28, $0x1;
	[dreg:$0x2] =	wrdreg s5  }
0xab: {  	[dreg:$0x3] =	wrdreg s7  }
0xac: {  	[dreg:$0x4] =	wrdreg $0xC0  }
0xad: {  	_ =	task [dreg:s9], $0x5FFFF  }
0xae: {  	[dreg:$0x1] =	wrdreg $0xFFFFFFFF  }
0xaf: {  	[dreg:$0x0] =	wrdreg $0x60  }
0xb0: {  	[dreg:$0x2] =	wrdreg s2  }
0xb1: {  	[dreg:$0x3] =	wrdreg s18  }
0xb2: {  	[dreg:$0x4] =	wrdreg s4  }
0xb3: {  	[dreg:$0x5] =	wrdreg s24  }
0xb4: {  	[dreg:$0x6] =	wrdreg $0x9  }
0xb5: {  	_ =	task.clear_ibuf [dreg:s9], $0x7FFFF;
	_ =	strace $0x90000046  }
0xb6: {  	s29 =	simm.s32 $0x9;
	_ =	strace $0x80000048  }
0xb7: {  	_ =	swait.ge [sflag:s29], $0x1  }
0xb8: {  	[sflag:s29] =	ssyncadd.s32 $0xFFFFFFFF  }
0xb9: {  	_ =	strace $0x90000048  }
0xba: {  	_ =	sfence  }
0xbb: {  	s30 =	sld [smem:$0x0];
	_ =	sdelay $0x2  }
0xbc: {  	s31 =	sshll.u32 s1, $0xD;
	s1 =	sshrl.u32 s1, $0x2  }
0xbd: {  	s3 =	sand.u32 $0x4000, s31;
	s1 =	sadd.s32 s1, s30  }
0xbe: {  	s0 =	sor.u32 s3, s0;
	s1 =	sshll.u32 s1, $0x11  }
0xbf: {  	s0 =	sor.u32 s1, s0  }
0xc0: {  	s0 =	sadd.s32 $0x8F2B, s0  }
0xc1: {  	[sflag:s0] =	ssyncadd.remote.s32 $0x1  }
0xc2: {  	_ =	sfence.sel $0xFFFF  }
0xc3: {  	[dreg:$0x0] =	wrdreg $0xFFFFFFFF;
	(pc) =	sbr.abs _section_cstart, $3  }
0xc4: {  	[dreg:$0x1] =	wrdreg $0xFFFFFFFF  }
0xc5: {  	_ =	task.clear_ibuf [dreg:s9], $0x2FFFF;
	_ =	strace $0x9FFFFFFF  }
0xc6: {  	(tm) =	ssettm $0x7FFFFFFF  }
0xc7: {  	_ =	shalt  }
tec
execute0_lowered:
.L_overlay_start_1:
0x0: {  	(tag) =	ssettag $0x1  }
0x1: {  	s1 =	rddreg [dreg:$0x0]  }
0x2: {  	s2 =	rddreg [dreg:$0x1]  }
0x3: {  	s4 =	srdreg.scid;
	s3 =	rddreg [dreg:$0x2]  }
0x4: {  	s0 =	stileid.u32;
	v0 =	vlaneseq.u32;
	v1 =	vimm.s32 $0x6;
	v2 =	vimm.s32 $0x0;
	s7 =	rddreg [dreg:$0x3];
	s5 =	simm.s32 $0x0  }
0x5: {  	v3 =	vimm.s32 $0x1;
	v4 =	vimm.s32 $0x2;
	v5 =	vimm.s32 $0x3;
	s14 =	simm.s32 $0x10280;
	s6 =	sand.u32 $0x1, s4;
	s31 =	sshll.u32 s0, $0x1  }
0x6: {  	v6 =	vimm.s32 $0x4;
	v7 =	vimm.s32 $0x5;
	v8 =	vimm.s32 $0x7;
	s15 =	simm.s32 $0x14280;
	s16 =	simm.s32 $0x1;
	s8 =	sor.u32 s6, s31  }
0x7: {  	v9 =	vimm.s32 $0x8;
	v10 =	vimm.s32 $0x9;
	v11 =	vimm.s32 $0xA;
	s17 =	simm.s32 $0x100;
	s18 =	simm.s32 $0x10100;
	s9 =	smul.u32 $0x1C, s8  }
0x8: {  	v12 =	vimm.s32 $0xB;
	v13 =	vimm.s32 $0xC;
	s19 =	simm.s32 $0x2;
	s20 =	simm.s32 $0x18280;
	v14 =	vmul.u32 $0x11, v0;
	s10 =	smul.u32 $0x7000, s8  }
0x9: {  	v15 =	vimm.s32 $0xD;
	v16 =	vimm.s32 $0xE;
	v17 =	vimm.s32 $0xF;
	s21 =	simm.s32 $0x0;
	s6 =	ssub.s32 $0x2, s6;
	s12 =	smul.u32 $0x38000, s8  }
.Ltmp0:
0xa: {  	[smem:$0x7FF] =	sst s5;
	s11 =	sshrl.u32 s6, $0x1;
	v18 =	vadd.s32 $0x1, v14;
	v19 =	vadd.s32 $0x2, v14;
	v20 =	vadd.s32 $0x3, v14;
	(pc) =	sbr.rel .LBB2_1-.Ltmp0, $4  }
0xb: {  	s4 =	rddreg [dreg:$0x4];
	_ =	strace $0x80000047;
	v21 =	vadd.s32 $0x4, v14;
	v22 =	vadd.s32 $0x5, v14;
	v23 =	vadd.s32 $0x6, v14;
	s11 =	ssub.s32 s6, s11  }
0xc: {  	v24 =	vadd.s32 $0x7, v14;
	v25 =	vadd.s32 $0x8, v14;
	v26 =	vadd.s32 $0x9, v14;
	s13 =	sadd.s32 s9, s7;
	s6 =	sadd.s32 s1, s10;
	s8 =	sadd.s32 $0x8000, s12  }
0xd: {  	v27 =	vadd.s32 $0xA, v14;
	v28 =	vadd.s32 $0xB, v14;
	v29 =	vadd.s32 $0xC, v14;
	s9 =	sadd.s32 $0xC000, s12;
	s11 =	smax.u32 s11, $0x1;
	s12 =	simm.s32 $0x3  }
0xe: {  	v30 =	vadd.s32 $0xD, v14;
	v31 =	vadd.s32 $0xE, v14;
	v32 =	vadd.s32 $0xF, v14;
	s7 =	sadd.s32 $0x800, s6;
	s10 =	sadd.s32 $0x800, s13;
	s13 =	simm.s32 $0x80  }
.LBB2_14:
0xf: {  	s21 =	sadd.s32 $0x1, s21  }
0x10: {  	p0 =	sne.s32 s21, s11  }
.Ltmp1:
0x11: {  	_ = 	snop;
	(pc) =	sbr.rel @!p0 .LBB2_15-.Ltmp1, $4  }
0x12: {  	[hbm4b:s10+s5] =	stream.linear.scatter [tilespmem:s20], [sflag:$0x3], $0xE0, $0x38;
	[tilespmem:$0x18380] =	vst v63  }
0x13: {  	_ =	swait.ge [sflag:s12], $0xE0  }
0x14: {  	[sflag:s12] =	ssyncset.done $0x0  }
0x15: {  	[sflag:s12] =	ssyncadd.s32 $0xFFFFFF20  }
.LBB2_1:
0x16: {  	[tilespmem:s5], [sflag:$0x3] =	stream.linear.gather [hbm4b:s2+s5], $0x80, $0x38;
	[tilespmem:$0x18380] =	vst v63  }
0x17: {  	_ =	swait.ge [sflag:s12], $0x80  }
0x18: {  	v33 =	vmov s5;
	v34 =	vor.u32 s5, v0;
	[sflag:s12] =	ssyncset.done $0x0  }
0x19: {  	v35 =	vshrl.u32 v33, $0x6;
	v34 =	vand.u32 $0x3F, v34;
	[sflag:s12] =	ssyncadd.s32 $0xFFFFFF80  }
0x1a: {  	v33 =	vsub.s32 v35, v34;
	[tilespmem:s13], [sflag:$0x3] =	stream.linear.gather [hbm4b:s3+s5], $0x80, $0x38;
	[tilespmem:$0x18380] =	vst v63  }
0x1b: {  	v36 =	vand.u32 $0x7F, v33;
	_ =	swait.ge [sflag:s12], $0x80  }
0x1c: {  	[sflag:s12] =	ssyncset.done $0x0  }
0x1d: {  	[sflag:s12] =	ssyncadd.s32 $0xFFFFFF80  }
0x1e: {  	v34 =	vmax.u32 v35, v34;
	v33 =	vld [tilespmem:$0x80]  }
0x1f: {  	v34 =	vcvt.s32.f32 v34  }
0x20: {  	v58 =	vld.idx.msk [tilespmem:v36+s5+$0x0], $0xffff  }
0x21: {  	v34 =	vsub.f32 $2.000000000e+00, v34;
	_ =	sdelay $0x1  }
0x22: {  	v34 =	vmul.f32 v34, v33;
	_ =	sdelay $0x1  }
0x23: {  	v34 =	vsub.f32 v58, v34;
	_ =	sdelay $0x1  }
0x24: {  	v34 =	vmul.f32 $1.442695020e+00, v34;
	_ =	sdelay $0x1  }
0x25: {  	(erf) = vpow2.f32 v34;
	_ =	sdelay $0x8  }
0x26: {  	v59 =	vpop (erf)  }
0x27: {  	v60 =	vperm.xlane v59, v2  }
0x28: {  	s22 =	simm.s32 $0x180;
	v61 =	vperm.xlane v59, v3  }
0x29: {  	v37 =	vperm.xlane v59, v4;
	[tilespmem:s22+$0xFFFFFF80] =	vst v60  }
0x2a: {  	v62 =	vperm.xlane v59, v5;
	[tilespmem:s22+$0xFFFFFF90] =	vst v61  }
0x2b: {  	v63 =	vperm.xlane v59, v6;
	[tilespmem:s22+$0xFFFFFFA0] =	vst v37  }
0x2c: {  	v38 =	vperm.xlane v59, v7;
	[tilespmem:s22+$0xFFFFFFB0] =	vst v62  }
0x2d: {  	v40 =	vperm.xlane v59, v1;
	v41 =	vperm.xlane v59, v8;
	[tilespmem:s22+$0xFFFFFFC0] =	vst v63  }
0x2e: {  	v43 =	vperm.xlane v59, v9;
	v39 =	vperm.xlane v59, v10;
	[tilespmem:s22+$0xFFFFFFD0] =	vst v38  }
0x2f: {  	s23 =	simm.s32 $0x10;
	v34 =	vperm.xlane v59, v12;
	v35 =	vperm.xlane v59, v13;
	[tilespmem:s22+$0xFFFFFFE0] =	vst v40  }
0x30: {  	v42 =	vor.u32 s23, v0;
	v36 =	vperm.xlane v59, v17;
	v37 =	vperm.xlane v59, v11;
	[tilespmem:s22+$0xFFFFFFF0] =	vst v41  }
0x31: {  	v38 =	vperm.xlane v59, v15;
	v40 =	vperm.xlane v59, v16;
	v41 =	vmov s23;
	s23 =	simm.s32 $0x20;
	[tilespmem:s22+$0x0] =	vst v43  }
.LBB2_2:
0x32: {  	p0 =	sne.s32 s23, $0xFF0;
	v41 =	vshrl.u32 v41, $0x6;
	v42 =	vand.u32 $0x3F, v42;
	[tilespmem:s22+$0x10] =	vst v39  }
0x33: {  	v39 =	vsub.s32 v41, v42;
	[tilespmem:s22+$0x20] =	vst v37  }
0x34: {  	v37 =	vand.u32 $0x7F, v39;
	[tilespmem:s22+$0x30] =	vst v34  }
0x35: {  	[tilespmem:s22+$0x40] =	vst v35  }
0x36: {  	[tilespmem:s22+$0x50] =	vst v38  }
0x37: {  	[tilespmem:s22+$0x60] =	vst v40  }
0x38: {  	v34 =	vmax.u32 v41, v42;
	[tilespmem:s22+$0x70] =	vst v36  }
0x39: {  	v34 =	vcvt.s32.f32 v34;
	v35 =	vld.idx.msk [tilespmem:v37+s5+$0x0], $0xffff;
	_ =	sdelay $0x1  }
0x3a: {  	v34 =	vsub.f32 $2.000000000e+00, v34;
	_ =	sdelay $0x1  }
0x3b: {  	v34 =	vmul.f32 v34, v33;
	_ =	sdelay $0x1  }
0x3c: {  	v34 =	vsub.f32 v35, v34;
	_ =	sdelay $0x1  }
0x3d: {  	v34 =	vmul.f32 $1.442695020e+00, v34;
	_ =	sdelay $0x1  }
0x3e: {  	(erf) = vpow2.f32 v34;
	_ =	sdelay $0x8  }
0x3f: {  	v36 =	vpop (erf)  }
0x40: {  	v34 =	vperm.xlane v36, v2;
	v35 =	vperm.xlane v36, v3  }
0x41: {  	s22 =	sadd.s32 $0x100, s22;
	v37 =	vperm.xlane v36, v4;
	v38 =	vperm.xlane v36, v5  }
0x42: {  	v40 =	vperm.xlane v36, v6;
	v41 =	vperm.xlane v36, v7;
	[tilespmem:s22+$0xFFFFFF80] =	vst v34  }
0x43: {  	v42 =	vperm.xlane v36, v1;
	v43 =	vperm.xlane v36, v8;
	[tilespmem:s22+$0xFFFFFF90] =	vst v35  }
0x44: {  	v44 =	vperm.xlane v36, v9;
	v39 =	vperm.xlane v36, v10;
	[tilespmem:s22+$0xFFFFFFA0] =	vst v37  }
0x45: {  	v34 =	vperm.xlane v36, v12;
	v37 =	vperm.xlane v36, v11;
	[tilespmem:s22+$0xFFFFFFB0] =	vst v38  }
.Ltmp2:
0x46: {  	v35 =	vperm.xlane v36, v13;
	v38 =	vperm.xlane v36, v15;
	[tilespmem:s22+$0xFFFFFFC0] =	vst v40;
	(pc) =	sbr.rel @p0 .LBB2_2-.Ltmp2, $4  }
0x47: {  	v40 =	vperm.xlane v36, v16;
	v36 =	vperm.xlane v36, v17;
	[tilespmem:s22+$0xFFFFFFD0] =	vst v41  }
0x48: {  	[tilespmem:s22+$0xFFFFFFE0] =	vst v42  }
0x49: {  	[tilespmem:s22+$0xFFFFFFF0] =	vst v43  }
0x4a: {  	v41 =	vmov s23;
	v42 =	vor.u32 s23, v0;
	s23 =	sadd.s32 $0x10, s23;
	[tilespmem:s22+$0x0] =	vst v44  }
0x4b: {  	v41 =	vshrl.u32 v41, $0x6;
	v42 =	vand.u32 $0x3F, v42;
	[tilespmem:s22+$0x10] =	vst v39  }
0x4c: {  	[tilespmem:s22+$0x20] =	vst v37;
	v46 =	vsub.s32 v41, v42  }
0x4d: {  	[tilespmem:s22+$0x30] =	vst v34;
	v47 =	vand.u32 $0x7F, v46  }
0x4e: {  	[tilespmem:s22+$0x40] =	vst v35  }
0x4f: {  	[tilespmem:s22+$0x50] =	vst v38  }
0x50: {  	[tilespmem:s22+$0x60] =	vst v40;
	v48 =	vmax.u32 v41, v42  }
0x51: {  	[tilespmem:s22+$0x70] =	vst v36;
	v34 =	vcvt.s32.f32 v48  }
0x52: {  	v35 =	vld.idx.msk [tilespmem:v47+s5+$0x0], $0xffff  }
0x53: {  	v34 =	vsub.f32 $2.000000000e+00, v34;
	_ =	sdelay $0x1  }
0x54: {  	v33 =	vmul.f32 v34, v33;
	_ =	sdelay $0x1  }
0x55: {  	v33 =	vsub.f32 v35, v33;
	_ =	sdelay $0x1  }
0x56: {  	v33 =	vmul.f32 $1.442695020e+00, v33;
	_ =	sdelay $0x1  }
0x57: {  	(erf) = vpow2.f32 v33;
	_ =	sdelay $0x8  }
0x58: {  	v33 =	vpop (erf)  }
0x59: {  	v49 =	vperm.xlane v33, v2  }
0x5a: {  	s31 =	sadd.s32 $0x100, s22;
	v50 =	vperm.xlane v33, v3  }
0x5b: {  	v51 =	vperm.xlane v33, v4;
	[tilespmem:s31+$0xFFFFFF80] =	vst v49  }
0x5c: {  	v52 =	vperm.xlane v33, v5;
	[tilespmem:s31+$0xFFFFFF90] =	vst v50  }
0x5d: {  	v53 =	vperm.xlane v33, v6;
	[tilespmem:s31+$0xFFFFFFA0] =	vst v51  }
0x5e: {  	v54 =	vperm.xlane v33, v7;
	[tilespmem:s31+$0xFFFFFFB0] =	vst v52  }
0x5f: {  	v55 =	vperm.xlane v33, v1;
	[tilespmem:s31+$0xFFFFFFC0] =	vst v53  }
0x60: {  	v56 =	vperm.xlane v33, v8;
	[tilespmem:s31+$0xFFFFFFD0] =	vst v54  }
0x61: {  	v57 =	vperm.xlane v33, v9;
	[tilespmem:s31+$0xFFFFFFE0] =	vst v55  }
0x62: {  	v58 =	vperm.xlane v33, v10;
	[tilespmem:s31+$0xFFFFFFF0] =	vst v56  }
0x63: {  	v59 =	vperm.xlane v33, v11;
	[tilespmem:s31+$0x0] =	vst v57  }
0x64: {  	v60 =	vperm.xlane v33, v12;
	[tilespmem:s31+$0x10] =	vst v58  }
0x65: {  	v61 =	vperm.xlane v33, v13;
	[tilespmem:s31+$0x20] =	vst v59  }
0x66: {  	v62 =	vperm.xlane v33, v15;
	[tilespmem:s31+$0x30] =	vst v60  }
0x67: {  	v63 =	vperm.xlane v33, v16;
	[tilespmem:s31+$0x40] =	vst v61  }
0x68: {  	v33 =	vperm.xlane v33, v17;
	[tilespmem:s31+$0x50] =	vst v62  }
0x69: {  	[tilespmem:s31+$0x60] =	vst v63  }
0x6a: {  	s22 =	simm.s32 $0x0;
	[tilespmem:s31+$0x70] =	vst v33  }
0x6b: {  	[tilespmem:s14], [sflag:$0x1] =	stream.linear.gather [hbm4b:s6+s22], $0x4000, $0x38;
	[tilespmem:$0x18380] =	vst v63  }
0x6c: {  	_ = 	snop  }
0x6d: {  	[tilespmem:s15], [sflag:$0x2] =	stream.linear.gather [hbm4b:s7+s22], $0x4000, $0x38;
	[tilespmem:$0x18380] =	vst v63  }
.LBB2_4:
0x6e: {  	_ =	swait.ge [sflag:s16], $0x4000  }
0x6f: {  	[sflag:s16] =	ssyncset.done $0x0  }
0x70: {  	s23 =	simm.s32 $0x10300;
	s24 =	simm.s32 $0x0;
	[sflag:s16] =	ssyncadd.s32 $0xFFFFC000  }
.LBB2_5:
0x71: {  	v33 =	vld [tilespmem:s23+$0xFFFFFFE0]  }
0x72: {  	v34 =	vld [tilespmem:s23+$0x70]  }
0x73: {  	v35 =	vld [tilespmem:s23+$0xFFFFFFF0]  }
0x74: {  	v36 =	vld [tilespmem:s23+$0xFFFFFFA0]  }
0x75: {  	v37 =	vld [tilespmem:s23+$0x40]  }
0x76: {  	v38 =	vld [tilespmem:s23+$0x60]  }
0x77: {  	v39 =	vld [tilespmem:s23+$0x50]  }
0x78: {  	v40 =	vld [tilespmem:s23+$0xFFFFFF80]  }
0x79: {  	v41 =	vld [tilespmem:s23+$0x0]  }
0x7a: {  	v45 =	vld [tilespmem:s23+$0xFFFFFFB0];
	v33 =	vsub.f32 $1.000000000e+00, v33  }
0x7b: {  	v46 =	vld [tilespmem:s23+$0xFFFFFF90];
	v34 =	vsub.f32 $1.000000000e+00, v34;
	v35 =	vsub.f32 $1.000000000e+00, v35  }
0x7c: {  	v47 =	vld [tilespmem:s23+$0xFFFFFFC0];
	v38 =	vsub.f32 $1.000000000e+00, v38;
	v37 =	vsub.f32 $1.000000000e+00, v37  }
0x7d: {  	v48 =	vld [tilespmem:s23+$0x20];
	v39 =	vsub.f32 $1.000000000e+00, v39;
	v62 =	vsub.f32 $1.000000000e+00, v36  }
0x7e: {  	v43 =	vld [tilespmem:s23+$0x30];
	v41 =	vsub.f32 $1.000000000e+00, v41;
	v52 =	vsub.f32 $1.000000000e+00, v40;
	v33 =	vmul.f32 $6.300000000e+01, v33  }
0x7f: {  	v45 =	vsub.f32 $1.000000000e+00, v45;
	v34 =	vmul.f32 $6.300000000e+01, v34;
	v42 =	vmul.f32 $6.300000000e+01, v35  }
0x80: {  	v46 =	vsub.f32 $1.000000000e+00, v46;
	v50 =	vmul.f32 $6.300000000e+01, v38;
	v36 =	vmul.f32 $6.300000000e+01, v39  }
0x81: {  	v49 =	vld [tilespmem:s23+$0xFFFFFFD0];
	v47 =	vsub.f32 $1.000000000e+00, v47;
	v53 =	vmul.f32 $6.300000000e+01, v62;
	v54 =	vmul.f32 $6.300000000e+01, v41  }
0x82: {  	v55 =	vld [tilespmem:s23+$0x10];
	v48 =	vsub.f32 $1.000000000e+00, v48;
	v37 =	vmul.f32 $6.300000000e+01, v37;
	v39 =	vmul.f32 $6.300000000e+01, v52  }
0x83: {  	v43 =	vsub.f32 $1.000000000e+00, v43;
	v56 =	vmul.f32 $6.300000000e+01, v45;
	v57 =	vmul.f32 $6.300000000e+01, v47  }
0x84: {  	v58 =	vmul.f32 $6.300000000e+01, v46;
	v46 =	vmul.f32 $6.300000000e+01, v48  }
0x85: {  	v43 =	vmul.f32 $6.300000000e+01, v43;
	v33 =	vtrunc.f32 v33  }
0x86: {  	v59 =	vsub.f32 $1.000000000e+00, v49;
	v34 =	vtrunc.f32 v34;
	v42 =	vtrunc.f32 v42  }
0x87: {  	v41 =	vsub.f32 $1.000000000e+00, v55;
	v40 =	vtrunc.f32 v53;
	v38 =	vtrunc.f32 v54  }
0x88: {  	v37 =	vtrunc.f32 v37;
	v45 =	vtrunc.f32 v57  }
0x89: {  	v60 =	vmul.f32 $6.300000000e+01, v41;
	v41 =	vmul.f32 $6.300000000e+01, v59  }
0x8a: {  	v61 =	vtrunc.f32 v39;
	v53 =	vtrunc.f32 v58  }
0x8b: {  	v59 =	vtrunc.f32 v46;
	v33 =	vcvt.f32.s32 v33  }
0x8c: {  	v44 =	vcvt.f32.s32 v34;
	v42 =	vcvt.f32.s32 v42  }
0x8d: {  	v40 =	vcvt.f32.s32 v40;
	v37 =	vcvt.f32.s32 v37  }
0x8e: {  	v38 =	vcvt.f32.s32 v38;
	v46 =	vcvt.f32.s32 v59  }
0x8f: {  	v35 =	vimm.f32 $0.0e+00;
	v45 =	vcvt.f32.s32 v45;
	v49 =	vtrunc.f32 v60  }
0x90: {  	v34 =	vshll.u32 v33, $0xA;
	v44 =	vshll.u32 v44, $0x4;
	v47 =	vshll.u32 v40, $0xA  }
0x91: {  	v42 =	vshll.u32 v42, $0xA;
	v52 =	vshll.u32 v38, $0x4;
	v37 =	vshll.u32 v37, $0x4  }
0x92: {  	v46 =	vshll.u32 v46, $0x4;
	v63 =	vor.u32 v0, v44;
	v51 =	vand.u32 $0xFFFFFF80, v44  }
0x93: {  	v44 =	vtrunc.f32 v56;
	v62 =	vor.u32 v0, v37;
	v38 =	vand.u32 $0xFFFFFF80, v37  }
0x94: {  	v56 =	vcvt.f32.s32 v61;
	v58 =	vor.u32 v0, v52;
	v52 =	vand.u32 $0xFFFFFF80, v52  }
0x95: {  	v61 =	vcvt.f32.s32 v49;
	v33 =	vand.u32 $0x7F, v63;
	v63 =	vtrunc.f32 v43  }
0x96: {  	v39 =	vand.u32 $0x7F, v62;
	v57 =	vcvt.f32.s32 v44;
	v48 =	vand.u32 $0x7F, v58  }
0x97: {  	v37 =	vor.u32 v42, v51;
	v62 =	vor.u32 v0, v46;
	v46 =	vand.u32 $0xFFFFFF80, v46  }
0x98: {  	v44 =	vcvt.f32.s32 v63;
	v60 =	vshll.u32 v56, $0xA;
	v46 =	vor.u32 v47, v46  }
0x99: {  	v63 =	vand.u32 $0x7F, v62;
	v47 =	vcvt.f32.s32 v53;
	v42 =	vor.u32 v60, v52  }
0x9a: {  	v40 =	vshll.u32 v57, $0xA;
	v42 =	vor.u32 v48, v42;
	v48 =	vshll.u32 v61, $0x4  }
0x9b: {  	s25 =	simm.s32 $0x0;
	s26 =	sadd.s32 $0x100, s23;
	v43 =	vor.u32 v63, v46;
	v46 =	vtrunc.f32 v50;
	v49 =	vor.u32 v0, v48  }
.LBB2_6:
0x9c: {  	v50 =	vld [tilespmem:s26+$0xFFFFFFA0];
	s25 =	sadd.s32 $0x8, s25;
	v48 =	vand.u32 $0xFFFFFF80, v48;
	v44 =	vshll.u32 v44, $0x4;
	v45 =	vshll.u32 v45, $0xA  }
0x9d: {  	v49 =	vand.u32 $0x7F, v49;
	v41 =	vtrunc.f32 v41;
	v51 =	vld [tilespmem:s26+$0xFFFFFFF0];
	p0 =	slt.u32 s25, $0x18;
	v52 =	vand.u32 $0xFFFFFF80, v44  }
0x9e: {  	v46 =	vcvt.f32.s32 v46;
	v47 =	vshll.u32 v47, $0xA;
	v41 =	vcvt.f32.s32 v41;
	v53 =	vld [tilespmem:s26+$0x70]  }
0x9f: {  	v36 =	vtrunc.f32 v36;
	v38 =	vor.u32 v45, v38;
	v47 =	vor.u32 v47, v48;
	v54 =	vld [tilespmem:s26+$0xFFFFFFE0]  }
0xa0: {  	v36 =	vcvt.f32.s32 v36;
	v38 =	vor.u32 v39, v38;
	v39 =	vshll.u32 v46, $0x4;
	v43 =	vld.idx.msk [tilespmem:v43+s17+$0x0], $0xffff  }
0xa1: {  	v44 =	vor.u32 v0, v44;
	v46 =	vor.u32 v0, v39;
	v39 =	vand.u32 $0xFFFFFF80, v39;
	v45 =	vld [tilespmem:s26+$0x40]  }
0xa2: {  	v44 =	vand.u32 $0x7F, v44;
	v34 =	vor.u32 v34, v39;
	v39 =	vand.u32 $0x7F, v46;
	v48 =	vld [tilespmem:s26+$0xFFFFFF80]  }
0xa3: {  	v47 =	vor.u32 v49, v47;
	v36 =	vshll.u32 v36, $0x4;
	v46 =	vld [tilespmem:s26+$0x60];
	v53 =	vsub.f32 $1.000000000e+00, v53  }
0xa4: {  	v40 =	vor.u32 v40, v52;
	v52 =	vor.u32 v0, v36;
	v49 =	vld [tilespmem:s26+$0x30];
	v54 =	vsub.f32 $1.000000000e+00, v54  }
0xa5: {  	v41 =	vshll.u32 v41, $0xA;
	v36 =	vand.u32 $0xFFFFFF80, v36;
	v39 =	vor.u32 v39, v34;
	v42 =	vld.idx.msk [tilespmem:v42+s17+$0x0], $0xffff  }
0xa6: {  	v52 =	vand.u32 $0x7F, v52;
	v51 =	vsub.f32 $1.000000000e+00, v51;
	v34 =	vld [tilespmem:s26+$0x50];
	v54 =	vmul.f32 $6.300000000e+01, v54  }
0xa7: {  	v40 =	vor.u32 v44, v40;
	v36 =	vor.u32 v41, v36;
	v53 =	vmul.f32 $6.300000000e+01, v53;
	v55 =	vld [tilespmem:s26+$0x0]  }
0xa8: {  	v44 =	vmul.f32 $6.300000000e+01, v51;
	v51 =	vor.u32 v52, v36;
	v41 =	vtrunc.f32 v54;
	v47 =	vld.idx.msk [tilespmem:v47+s17+$0x0], $0xffff  }
0xa9: {  	v37 =	vor.u32 v33, v37;
	v52 =	vld [tilespmem:s26+$0xFFFFFFD0];
	v36 =	vcvt.f32.s32 v41;
	v41 =	vtrunc.f32 v53  }
0xaa: {  	v44 =	vtrunc.f32 v44;
	v33 =	vsub.f32 $1.000000000e+00, v46;
	v53 =	vld [tilespmem:s26+$0xFFFFFF90];
	v41 =	vcvt.f32.s32 v41  }
0xab: {  	v45 =	vsub.f32 $1.000000000e+00, v45;
	v44 =	vcvt.f32.s32 v44;
	v35 =	vadd.f32 v42, v35;
	v46 =	vld [tilespmem:s26+$0xFFFFFFB0]  }
0xac: {  	v42 =	vsub.f32 $1.000000000e+00, v34;
	v34 =	vshll.u32 v36, $0xA;
	v41 =	vshll.u32 v41, $0x4;
	v40 =	vld.idx.msk [tilespmem:v40+s17+$0x0], $0xffff  }
0xad: {  	v50 =	vsub.f32 $1.000000000e+00, v50;
	v54 =	vmul.f32 $6.300000000e+01, v33;
	v33 =	vor.u32 v0, v41;
	v38 =	vld.idx.msk [tilespmem:v38+s17+$0x0], $0xffff  }
0xae: {  	v36 =	vmul.f32 $6.300000000e+01, v42;
	v35 =	vadd.f32 v47, v35;
	v56 =	vld [tilespmem:s26+$0x20]  }
0xaf: {  	v42 =	vsub.f32 $1.000000000e+00, v48;
	v47 =	vsub.f32 $1.000000000e+00, v55;
	v48 =	vmul.f32 $6.300000000e+01, v50;
	v50 =	vld [tilespmem:s26+$0xFFFFFFC0]  }
0xb0: {  	v33 =	vand.u32 $0x7F, v33;
	v35 =	vadd.f32 v43, v35;
	v55 =	vld [tilespmem:s26+$0x10];
	v46 =	vsub.f32 $1.000000000e+00, v46  }
0xb1: {  	v43 =	vmul.f32 $6.300000000e+01, v47;
	v47 =	vtrunc.f32 v48;
	v48 =	vsub.f32 $1.000000000e+00, v49;
	v49 =	vld.idx.msk [tilespmem:v51+s17+$0x0], $0xffff  }
0xb2: {  	v47 =	vcvt.f32.s32 v47;
	v51 =	vsub.f32 $1.000000000e+00, v53;
	v35 =	vadd.f32 v40, v35;
	v39 =	vld.idx.msk [tilespmem:v39+s17+$0x0], $0xffff  }
0xb3: {  	v45 =	vmul.f32 $6.300000000e+01, v45;
	v53 =	vand.u32 $0xFFFFFF80, v41;
	v40 =	vsub.f32 $1.000000000e+00, v56  }
0xb4: {  	v42 =	vmul.f32 $6.300000000e+01, v42;
	v47 =	vshll.u32 v47, $0xA;
	v41 =	vsub.f32 $1.000000000e+00, v50  }
0xb5: {  	v43 =	vtrunc.f32 v43;
	v46 =	vmul.f32 $6.300000000e+01, v46;
	v50 =	vsub.f32 $1.000000000e+00, v55  }
0xb6: {  	v45 =	vtrunc.f32 v45;
	v35 =	vadd.f32 v38, v35;
	v41 =	vmul.f32 $6.300000000e+01, v41  }
0xb7: {  	v51 =	vmul.f32 $6.300000000e+01, v51;
	v38 =	vcvt.f32.s32 v45;
	v45 =	vshll.u32 v44, $0xA  }
0xb8: {  	v40 =	vmul.f32 $6.300000000e+01, v40;
	v35 =	vadd.f32 v49, v35;
	v55 =	vtrunc.f32 v41  }
0xb9: {  	v44 =	vsub.f32 $1.000000000e+00, v52;
	v41 =	vcvt.f32.s32 v43;
	v43 =	vtrunc.f32 v46;
	v37 =	vld.idx.msk [tilespmem:v37+s17+$0x0], $0xffff  }
0xba: {  	v48 =	vmul.f32 $6.300000000e+01, v48;
	v46 =	vmul.f32 $6.300000000e+01, v50;
	v35 =	vadd.f32 v39, v35  }
0xbb: {  	v38 =	vshll.u32 v38, $0x4;
	v49 =	vshll.u32 v41, $0x4;
	v41 =	vmul.f32 $6.300000000e+01, v44  }
0xbc: {  	v42 =	vtrunc.f32 v42;
	v39 =	vor.u32 v0, v38;
	v38 =	vand.u32 $0xFFFFFF80, v38  }
0xbd: {  	v50 =	vtrunc.f32 v51;
	v39 =	vand.u32 $0x7F, v39;
	v44 =	vtrunc.f32 v48  }
0xbe: {  	v42 =	vcvt.f32.s32 v42;
	v43 =	vcvt.f32.s32 v43;
	v48 =	vor.u32 v0, v49  }
0xbf: {  	v40 =	vtrunc.f32 v40;
	v49 =	vand.u32 $0xFFFFFF80, v49;
	v35 =	vadd.f32 v37, v35  }
0xc0: {  	v51 =	vcvt.f32.s32 v40;
	v44 =	vcvt.f32.s32 v44;
	v40 =	vshll.u32 v43, $0xA  }
0xc1: {  	v46 =	vtrunc.f32 v46;
	v43 =	vand.u32 $0x7F, v48;
	v37 =	vor.u32 v45, v53  }
.Ltmp3:
0xc2: {  	v42 =	vshll.u32 v42, $0xA;
	v46 =	vcvt.f32.s32 v46;
	v45 =	vshll.u32 v51, $0x4;
	(pc) =	sbr.rel @p0 .LBB2_6-.Ltmp3, $4  }
0xc3: {  	v42 =	vor.u32 v42, v49;
	v48 =	vor.u32 v0, v45;
	v45 =	vand.u32 $0xFFFFFF80, v45  }
0xc4: {  	v47 =	vor.u32 v47, v45;
	v49 =	vand.u32 $0x7F, v48;
	v45 =	vcvt.f32.s32 v55  }
0xc5: {  	v42 =	vor.u32 v43, v42;
	v48 =	vshll.u32 v46, $0x4;
	v43 =	vor.u32 v49, v47  }
0xc6: {  	s26 =	sadd.s32 $0x100, s26;
	v46 =	vtrunc.f32 v54;
	v47 =	vcvt.f32.s32 v50;
	v49 =	vor.u32 v0, v48  }
0xc7: {  	_ = 	snop  }
0xc8: {  	v48 =	vand.u32 $0xFFFFFF80, v48;
	v47 =	vshll.u32 v47, $0xA  }
0xc9: {  	v49 =	vand.u32 $0x7F, v49;
	v47 =	vor.u32 v47, v48  }
0xca: {  	v44 =	vshll.u32 v44, $0x4;
	v47 =	vor.u32 v49, v47  }
0xcb: {  	v45 =	vshll.u32 v45, $0xA;
	v41 =	vtrunc.f32 v41;
	v46 =	vcvt.f32.s32 v46  }
0xcc: {  	v36 =	vtrunc.f32 v36;
	v59 =	vand.u32 $0xFFFFFF80, v44;
	v44 =	vor.u32 v0, v44  }
0xcd: {  	v42 =	vld.idx.msk [tilespmem:v42+s17+$0x0], $0xffff;
	v36 =	vcvt.f32.s32 v36;
	v44 =	vand.u32 $0x7F, v44;
	v40 =	vor.u32 v40, v59  }
0xce: {  	v41 =	vcvt.f32.s32 v41;
	v38 =	vor.u32 v45, v38;
	v40 =	vor.u32 v44, v40  }
0xcf: {  	v38 =	vor.u32 v39, v38;
	v60 =	vshll.u32 v46, $0x4;
	v36 =	vshll.u32 v36, $0x4;
	v61 =	vld.idx.msk [tilespmem:v47+s17+$0x0], $0xffff  }
0xd0: {  	v41 =	vshll.u32 v41, $0xA;
	v62 =	vor.u32 v0, v36;
	v36 =	vand.u32 $0xFFFFFF80, v36  }
0xd1: {  	v43 =	vld.idx.msk [tilespmem:v43+s17+$0x0], $0xffff;
	v46 =	vor.u32 v0, v60;
	v45 =	vand.u32 $0x7F, v62;
	v36 =	vor.u32 v41, v36  }
0xd2: {  	v39 =	vand.u32 $0xFFFFFF80, v60;
	v35 =	vadd.f32 v42, v35;
	v36 =	vor.u32 v45, v36  }
0xd3: {  	v34 =	vor.u32 v34, v39;
	v63 =	vand.u32 $0x7F, v46;
	v40 =	vld.idx.msk [tilespmem:v40+s17+$0x0], $0xffff  }
0xd4: {  	v34 =	vor.u32 v63, v34;
	v35 =	vadd.f32 v61, v35  }
0xd5: {  	v38 =	vld.idx.msk [tilespmem:v38+s17+$0x0], $0xffff  }
0xd6: {  	v33 =	vor.u32 v33, v37;
	v35 =	vadd.f32 v43, v35  }
0xd7: {  	v36 =	vld.idx.msk [tilespmem:v36+s17+$0x0], $0xffff  }
0xd8: {  	v35 =	vadd.f32 v40, v35  }
0xd9: {  	v34 =	vld.idx.msk [tilespmem:v34+s17+$0x0], $0xffff  }
0xda: {  	v35 =	vadd.f32 v38, v35  }
0xdb: {  	v33 =	vld.idx.msk [tilespmem:v33+s17+$0x0], $0xffff  }
0xdc: {  	s25 =	smul.u32 $0x44, s24;
	s24 =	sadd.s32 $0x1, s24;
	v35 =	vadd.f32 v36, v35  }
0xdd: {  	p0 =	sne.s32 s24, $0x10  }
.Ltmp4:
0xde: {  	v34 =	vadd.f32 v34, v35;
	(pc) =	sbr.rel @p0 .LBB2_5-.Ltmp4, $4  }
0xdf: {  	_ = 	snop  }
0xe0: {  	v33 =	vadd.f32 v33, v34  }
0xe1: {  	s25 =	sshra.s32 s25, $0x2  }
0xe2: {  	s23 =	sadd.s32 $0x400, s23;
	[tilespmem:s25+$0x10100] =	vst v33  }
0xe3: {  	_ =	sdelay $0x3  }
0xe4: {  	v33 =	vld.idx.msk [tilespmem:v14+s18+$0x0], $0xffff;
	_ =	sdelay $0x1  }
0xe5: {  	v34 =	vld.idx.msk [tilespmem:v18+s18+$0x0], $0xffff;
	_ =	sdelay $0x1  }
0xe6: {  	v35 =	vld.idx.msk [tilespmem:v19+s18+$0x0], $0xffff  }
0xe7: {  	v33 =	vadd.f32 $0.0e+00, v33  }
0xe8: {  	v36 =	vld.idx.msk [tilespmem:v20+s18+$0x0], $0xffff  }
0xe9: {  	v33 =	vadd.f32 v34, v33  }
0xea: {  	v52 =	vld.idx.msk [tilespmem:v21+s18+$0x0], $0xffff  }
0xeb: {  	v33 =	vadd.f32 v35, v33  }
0xec: {  	v53 =	vld.idx.msk [tilespmem:v22+s18+$0x0], $0xffff  }
0xed: {  	v33 =	vadd.f32 v36, v33  }
0xee: {  	v54 =	vld.idx.msk [tilespmem:v23+s18+$0x0], $0xffff  }
0xef: {  	v33 =	vadd.f32 v52, v33  }
0xf0: {  	v55 =	vld.idx.msk [tilespmem:v24+s18+$0x0], $0xffff  }
0xf1: {  	v33 =	vadd.f32 v53, v33  }
0xf2: {  	v56 =	vld.idx.msk [tilespmem:v25+s18+$0x0], $0xffff  }
0xf3: {  	v33 =	vadd.f32 v54, v33  }
0xf4: {  	v57 =	vld.idx.msk [tilespmem:v26+s18+$0x0], $0xffff  }
0xf5: {  	v33 =	vadd.f32 v55, v33  }
0xf6: {  	v58 =	vld.idx.msk [tilespmem:v27+s18+$0x0], $0xffff  }
0xf7: {  	v33 =	vadd.f32 v56, v33  }
0xf8: {  	v59 =	vld.idx.msk [tilespmem:v28+s18+$0x0], $0xffff  }
0xf9: {  	v33 =	vadd.f32 v57, v33  }
0xfa: {  	v60 =	vld.idx.msk [tilespmem:v29+s18+$0x0], $0xffff  }
0xfb: {  	v33 =	vadd.f32 v58, v33  }
0xfc: {  	v61 =	vld.idx.msk [tilespmem:v30+s18+$0x0], $0xffff  }
0xfd: {  	v33 =	vadd.f32 v59, v33  }
0xfe: {  	v62 =	vld.idx.msk [tilespmem:v31+s18+$0x0], $0xffff  }
0xff: {  	v33 =	vadd.f32 v60, v33  }
0x100: {  	v63 =	vld.idx.msk [tilespmem:v32+s18+$0x0], $0xffff  }
0x101: {  	v33 =	vadd.f32 v61, v33;
	_ =	sdelay $0x1  }
0x102: {  	v33 =	vadd.f32 v62, v33  }
0x103: {  	s23 =	sshll.u32 s22, $0xF;
	p0 =	seq.s32 s22, $0x6  }
0x104: {  	s24 =	sshll.u32 s22, $0x5;
	s25 =	sadd.s32 @!p0 s23, s8;
	v33 =	vadd.f32 v63, v33  }
0x105: {  	s24 =	sand.u32 $0x3FFFFFE0, s24;
	s25 =	sshrl.u32 @!p0 s25, $0x3  }
0x106: {  	s26 =	simm.s32 @!p0 $0x0;
	s28 =	simm.s32 @!p0 $0x10280;
	s25 =	sadd.s32 @!p0 s1, s25;
	[tilespmem:s24+$0x18280] =	vst v33  }
0x107: {  	[tilespmem:s28], [sflag:$0x1] =	stream.linear.gather @!p0 [hbm4b:s25+s26], $0x4000, $0x38;
	[tilespmem:$0x18380] =	vst v63  }
0x108: {  	_ =	swait.ge [sflag:s19], $0x4000  }
0x109: {  	[sflag:s19] =	ssyncset.done $0x0  }
0x10a: {  	s25 =	simm.s32 $0x0;
	s26 =	simm.s32 $0x14300;
	[sflag:s19] =	ssyncadd.s32 $0xFFFFC000  }
.LBB2_9:
0x10b: {  	v33 =	vld [tilespmem:s26+$0xFFFFFFE0]  }
0x10c: {  	v34 =	vld [tilespmem:s26+$0x70]  }
0x10d: {  	v35 =	vld [tilespmem:s26+$0xFFFFFFF0]  }
0x10e: {  	v36 =	vld [tilespmem:s26+$0xFFFFFFA0]  }
0x10f: {  	v37 =	vld [tilespmem:s26+$0x40]  }
0x110: {  	v38 =	vld [tilespmem:s26+$0x60]  }
0x111: {  	v39 =	vld [tilespmem:s26+$0x50]  }
0x112: {  	v40 =	vld [tilespmem:s26+$0xFFFFFF80]  }
0x113: {  	v41 =	vld [tilespmem:s26+$0x0]  }
0x114: {  	v45 =	vld [tilespmem:s26+$0xFFFFFFB0];
	v33 =	vsub.f32 $1.000000000e+00, v33  }
0x115: {  	v46 =	vld [tilespmem:s26+$0xFFFFFF90];
	v34 =	vsub.f32 $1.000000000e+00, v34;
	v35 =	vsub.f32 $1.000000000e+00, v35  }
0x116: {  	v47 =	vld [tilespmem:s26+$0xFFFFFFC0];
	v38 =	vsub.f32 $1.000000000e+00, v38;
	v37 =	vsub.f32 $1.000000000e+00, v37  }
0x117: {  	v48 =	vld [tilespmem:s26+$0x20];
	v39 =	vsub.f32 $1.000000000e+00, v39;
	v62 =	vsub.f32 $1.000000000e+00, v36  }
0x118: {  	v43 =	vld [tilespmem:s26+$0x30];
	v41 =	vsub.f32 $1.000000000e+00, v41;
	v52 =	vsub.f32 $1.000000000e+00, v40;
	v33 =	vmul.f32 $6.300000000e+01, v33  }
0x119: {  	v45 =	vsub.f32 $1.000000000e+00, v45;
	v34 =	vmul.f32 $6.300000000e+01, v34;
	v42 =	vmul.f32 $6.300000000e+01, v35  }
0x11a: {  	v46 =	vsub.f32 $1.000000000e+00, v46;
	v50 =	vmul.f32 $6.300000000e+01, v38;
	v36 =	vmul.f32 $6.300000000e+01, v39  }
0x11b: {  	v49 =	vld [tilespmem:s26+$0xFFFFFFD0];
	v47 =	vsub.f32 $1.000000000e+00, v47;
	v53 =	vmul.f32 $6.300000000e+01, v62;
	v54 =	vmul.f32 $6.300000000e+01, v41  }
0x11c: {  	v55 =	vld [tilespmem:s26+$0x10];
	v48 =	vsub.f32 $1.000000000e+00, v48;
	v37 =	vmul.f32 $6.300000000e+01, v37;
	v39 =	vmul.f32 $6.300000000e+01, v52  }
0x11d: {  	v43 =	vsub.f32 $1.000000000e+00, v43;
	v56 =	vmul.f32 $6.300000000e+01, v45;
	v57 =	vmul.f32 $6.300000000e+01, v47  }
0x11e: {  	v58 =	vmul.f32 $6.300000000e+01, v46;
	v46 =	vmul.f32 $6.300000000e+01, v48  }
0x11f: {  	v43 =	vmul.f32 $6.300000000e+01, v43;
	v33 =	vtrunc.f32 v33  }
0x120: {  	v59 =	vsub.f32 $1.000000000e+00, v49;
	v34 =	vtrunc.f32 v34;
	v42 =	vtrunc.f32 v42  }
0x121: {  	v41 =	vsub.f32 $1.000000000e+00, v55;
	v40 =	vtrunc.f32 v53;
	v38 =	vtrunc.f32 v54  }
0x122: {  	v37 =	vtrunc.f32 v37;
	v45 =	vtrunc.f32 v57  }
0x123: {  	v60 =	vmul.f32 $6.300000000e+01, v41;
	v41 =	vmul.f32 $6.300000000e+01, v59  }
0x124: {  	v61 =	vtrunc.f32 v39;
	v53 =	vtrunc.f32 v58  }
0x125: {  	v59 =	vtrunc.f32 v46;
	v33 =	vcvt.f32.s32 v33  }
0x126: {  	v44 =	vcvt.f32.s32 v34;
	v42 =	vcvt.f32.s32 v42  }
0x127: {  	v40 =	vcvt.f32.s32 v40;
	v37 =	vcvt.f32.s32 v37  }
0x128: {  	v38 =	vcvt.f32.s32 v38;
	v46 =	vcvt.f32.s32 v59  }
0x129: {  	v35 =	vimm.f32 $0.0e+00;
	v45 =	vcvt.f32.s32 v45;
	v49 =	vtrunc.f32 v60  }
0x12a: {  	v34 =	vshll.u32 v33, $0xA;
	v44 =	vshll.u32 v44, $0x4;
	v47 =	vshll.u32 v40, $0xA  }
0x12b: {  	v42 =	vshll.u32 v42, $0xA;
	v52 =	vshll.u32 v38, $0x4;
	v37 =	vshll.u32 v37, $0x4  }
0x12c: {  	v46 =	vshll.u32 v46, $0x4;
	v63 =	vor.u32 v0, v44;
	v51 =	vand.u32 $0xFFFFFF80, v44  }
0x12d: {  	v44 =	vtrunc.f32 v56;
	v62 =	vor.u32 v0, v37;
	v38 =	vand.u32 $0xFFFFFF80, v37  }
0x12e: {  	v56 =	vcvt.f32.s32 v61;
	v58 =	vor.u32 v0, v52;
	v52 =	vand.u32 $0xFFFFFF80, v52  }
0x12f: {  	v61 =	vcvt.f32.s32 v49;
	v33 =	vand.u32 $0x7F, v63;
	v63 =	vtrunc.f32 v43  }
0x130: {  	v39 =	vand.u32 $0x7F, v62;
	v57 =	vcvt.f32.s32 v44;
	v48 =	vand.u32 $0x7F, v58  }
0x131: {  	v37 =	vor.u32 v42, v51;
	v62 =	vor.u32 v0, v46;
	v46 =	vand.u32 $0xFFFFFF80, v46  }
0x132: {  	v44 =	vcvt.f32.s32 v63;
	v60 =	vshll.u32 v56, $0xA;
	v46 =	vor.u32 v47, v46  }
0x133: {  	v63 =	vand.u32 $0x7F, v62;
	v47 =	vcvt.f32.s32 v53;
	v42 =	vor.u32 v60, v52  }
0x134: {  	v40 =	vshll.u32 v57, $0xA;
	v42 =	vor.u32 v48, v42;
	v48 =	vshll.u32 v61, $0x4  }
0x135: {  	s28 =	simm.s32 $0x0;
	s29 =	sadd.s32 $0x100, s26;
	v43 =	vor.u32 v63, v46;
	v46 =	vtrunc.f32 v50;
	v49 =	vor.u32 v0, v48  }
.LBB2_10:
0x136: {  	v50 =	vld [tilespmem:s29+$0xFFFFFFA0];
	s28 =	sadd.s32 $0x8, s28;
	v48 =	vand.u32 $0xFFFFFF80, v48;
	v44 =	vshll.u32 v44, $0x4;
	v45 =	vshll.u32 v45, $0xA  }
0x137: {  	v49 =	vand.u32 $0x7F, v49;
	v41 =	vtrunc.f32 v41;
	v51 =	vld [tilespmem:s29+$0xFFFFFFF0];
	p1 =	slt.u32 s28, $0x18;
	v52 =	vand.u32 $0xFFFFFF80, v44  }
0x138: {  	v46 =	vcvt.f32.s32 v46;
	v47 =	vshll.u32 v47, $0xA;
	v41 =	vcvt.f32.s32 v41;
	v53 =	vld [tilespmem:s29+$0x70]  }
0x139: {  	v36 =	vtrunc.f32 v36;
	v38 =	vor.u32 v45, v38;
	v47 =	vor.u32 v47, v48;
	v54 =	vld [tilespmem:s29+$0xFFFFFFE0]  }
0x13a: {  	v36 =	vcvt.f32.s32 v36;
	v38 =	vor.u32 v39, v38;
	v39 =	vshll.u32 v46, $0x4;
	v43 =	vld.idx.msk [tilespmem:v43+s17+$0x0], $0xffff  }
0x13b: {  	v44 =	vor.u32 v0, v44;
	v46 =	vor.u32 v0, v39;
	v39 =	vand.u32 $0xFFFFFF80, v39;
	v45 =	vld [tilespmem:s29+$0x40]  }
0x13c: {  	v44 =	vand.u32 $0x7F, v44;
	v34 =	vor.u32 v34, v39;
	v39 =	vand.u32 $0x7F, v46;
	v48 =	vld [tilespmem:s29+$0xFFFFFF80]  }
0x13d: {  	v47 =	vor.u32 v49, v47;
	v36 =	vshll.u32 v36, $0x4;
	v46 =	vld [tilespmem:s29+$0x60];
	v53 =	vsub.f32 $1.000000000e+00, v53  }
0x13e: {  	v40 =	vor.u32 v40, v52;
	v52 =	vor.u32 v0, v36;
	v49 =	vld [tilespmem:s29+$0x30];
	v54 =	vsub.f32 $1.000000000e+00, v54  }
0x13f: {  	v41 =	vshll.u32 v41, $0xA;
	v36 =	vand.u32 $0xFFFFFF80, v36;
	v39 =	vor.u32 v39, v34;
	v42 =	vld.idx.msk [tilespmem:v42+s17+$0x0], $0xffff  }
0x140: {  	v52 =	vand.u32 $0x7F, v52;
	v51 =	vsub.f32 $1.000000000e+00, v51;
	v34 =	vld [tilespmem:s29+$0x50];
	v54 =	vmul.f32 $6.300000000e+01, v54  }
0x141: {  	v40 =	vor.u32 v44, v40;
	v36 =	vor.u32 v41, v36;
	v53 =	vmul.f32 $6.300000000e+01, v53;
	v55 =	vld [tilespmem:s29+$0x0]  }
0x142: {  	v44 =	vmul.f32 $6.300000000e+01, v51;
	v51 =	vor.u32 v52, v36;
	v41 =	vtrunc.f32 v54;
	v47 =	vld.idx.msk [tilespmem:v47+s17+$0x0], $0xffff  }
0x143: {  	v37 =	vor.u32 v33, v37;
	v52 =	vld [tilespmem:s29+$0xFFFFFFD0];
	v36 =	vcvt.f32.s32 v41;
	v41 =	vtrunc.f32 v53  }
0x144: {  	v44 =	vtrunc.f32 v44;
	v33 =	vsub.f32 $1.000000000e+00, v46;
	v53 =	vld [tilespmem:s29+$0xFFFFFF90];
	v41 =	vcvt.f32.s32 v41  }
0x145: {  	v45 =	vsub.f32 $1.000000000e+00, v45;
	v44 =	vcvt.f32.s32 v44;
	v35 =	vadd.f32 v42, v35;
	v46 =	vld [tilespmem:s29+$0xFFFFFFB0]  }
0x146: {  	v42 =	vsub.f32 $1.000000000e+00, v34;
	v34 =	vshll.u32 v36, $0xA;
	v41 =	vshll.u32 v41, $0x4;
	v40 =	vld.idx.msk [tilespmem:v40+s17+$0x0], $0xffff  }
0x147: {  	v50 =	vsub.f32 $1.000000000e+00, v50;
	v54 =	vmul.f32 $6.300000000e+01, v33;
	v33 =	vor.u32 v0, v41;
	v38 =	vld.idx.msk [tilespmem:v38+s17+$0x0], $0xffff  }
0x148: {  	v36 =	vmul.f32 $6.300000000e+01, v42;
	v35 =	vadd.f32 v47, v35;
	v56 =	vld [tilespmem:s29+$0x20]  }
0x149: {  	v42 =	vsub.f32 $1.000000000e+00, v48;
	v47 =	vsub.f32 $1.000000000e+00, v55;
	v48 =	vmul.f32 $6.300000000e+01, v50;
	v50 =	vld [tilespmem:s29+$0xFFFFFFC0]  }
0x14a: {  	v33 =	vand.u32 $0x7F, v33;
	v35 =	vadd.f32 v43, v35;
	v55 =	vld [tilespmem:s29+$0x10];
	v46 =	vsub.f32 $1.000000000e+00, v46  }
0x14b: {  	v43 =	vmul.f32 $6.300000000e+01, v47;
	v47 =	vtrunc.f32 v48;
	v48 =	vsub.f32 $1.000000000e+00, v49;
	v49 =	vld.idx.msk [tilespmem:v51+s17+$0x0], $0xffff  }
0x14c: {  	v47 =	vcvt.f32.s32 v47;
	v51 =	vsub.f32 $1.000000000e+00, v53;
	v35 =	vadd.f32 v40, v35;
	v39 =	vld.idx.msk [tilespmem:v39+s17+$0x0], $0xffff  }
0x14d: {  	v45 =	vmul.f32 $6.300000000e+01, v45;
	v53 =	vand.u32 $0xFFFFFF80, v41;
	v40 =	vsub.f32 $1.000000000e+00, v56  }
0x14e: {  	v42 =	vmul.f32 $6.300000000e+01, v42;
	v47 =	vshll.u32 v47, $0xA;
	v41 =	vsub.f32 $1.000000000e+00, v50  }
0x14f: {  	v43 =	vtrunc.f32 v43;
	v46 =	vmul.f32 $6.300000000e+01, v46;
	v50 =	vsub.f32 $1.000000000e+00, v55  }
0x150: {  	v45 =	vtrunc.f32 v45;
	v35 =	vadd.f32 v38, v35;
	v41 =	vmul.f32 $6.300000000e+01, v41  }
0x151: {  	v51 =	vmul.f32 $6.300000000e+01, v51;
	v38 =	vcvt.f32.s32 v45;
	v45 =	vshll.u32 v44, $0xA  }
0x152: {  	v40 =	vmul.f32 $6.300000000e+01, v40;
	v35 =	vadd.f32 v49, v35;
	v55 =	vtrunc.f32 v41  }
0x153: {  	v44 =	vsub.f32 $1.000000000e+00, v52;
	v41 =	vcvt.f32.s32 v43;
	v43 =	vtrunc.f32 v46;
	v37 =	vld.idx.msk [tilespmem:v37+s17+$0x0], $0xffff  }
0x154: {  	v48 =	vmul.f32 $6.300000000e+01, v48;
	v46 =	vmul.f32 $6.300000000e+01, v50;
	v35 =	vadd.f32 v39, v35  }
0x155: {  	v38 =	vshll.u32 v38, $0x4;
	v49 =	vshll.u32 v41, $0x4;
	v41 =	vmul.f32 $6.300000000e+01, v44  }
0x156: {  	v42 =	vtrunc.f32 v42;
	v39 =	vor.u32 v0, v38;
	v38 =	vand.u32 $0xFFFFFF80, v38  }
0x157: {  	v50 =	vtrunc.f32 v51;
	v39 =	vand.u32 $0x7F, v39;
	v44 =	vtrunc.f32 v48  }
0x158: {  	v42 =	vcvt.f32.s32 v42;
	v43 =	vcvt.f32.s32 v43;
	v48 =	vor.u32 v0, v49  }
0x159: {  	v40 =	vtrunc.f32 v40;
	v49 =	vand.u32 $0xFFFFFF80, v49;
	v35 =	vadd.f32 v37, v35  }
0x15a: {  	v51 =	vcvt.f32.s32 v40;
	v44 =	vcvt.f32.s32 v44;
	v40 =	vshll.u32 v43, $0xA  }
0x15b: {  	v46 =	vtrunc.f32 v46;
	v43 =	vand.u32 $0x7F, v48;
	v37 =	vor.u32 v45, v53  }
.Ltmp5:
0x15c: {  	v42 =	vshll.u32 v42, $0xA;
	v46 =	vcvt.f32.s32 v46;
	v45 =	vshll.u32 v51, $0x4;
	(pc) =	sbr.rel @p1 .LBB2_10-.Ltmp5, $4  }
0x15d: {  	v42 =	vor.u32 v42, v49;
	v48 =	vor.u32 v0, v45;
	v45 =	vand.u32 $0xFFFFFF80, v45  }
0x15e: {  	v47 =	vor.u32 v47, v45;
	v49 =	vand.u32 $0x7F, v48;
	v45 =	vcvt.f32.s32 v55  }
0x15f: {  	v42 =	vor.u32 v43, v42;
	v48 =	vshll.u32 v46, $0x4;
	v43 =	vor.u32 v49, v47  }
0x160: {  	s29 =	sadd.s32 $0x100, s29;
	v46 =	vtrunc.f32 v54;
	v47 =	vcvt.f32.s32 v50;
	v49 =	vor.u32 v0, v48  }
0x161: {  	_ = 	snop  }
0x162: {  	v48 =	vand.u32 $0xFFFFFF80, v48;
	v47 =	vshll.u32 v47, $0xA  }
0x163: {  	v49 =	vand.u32 $0x7F, v49;
	v47 =	vor.u32 v47, v48  }
0x164: {  	v44 =	vshll.u32 v44, $0x4;
	v47 =	vor.u32 v49, v47  }
0x165: {  	v45 =	vshll.u32 v45, $0xA;
	v41 =	vtrunc.f32 v41;
	v46 =	vcvt.f32.s32 v46  }
0x166: {  	v36 =	vtrunc.f32 v36;
	v59 =	vand.u32 $0xFFFFFF80, v44;
	v44 =	vor.u32 v0, v44  }
0x167: {  	v42 =	vld.idx.msk [tilespmem:v42+s17+$0x0], $0xffff;
	v36 =	vcvt.f32.s32 v36;
	v44 =	vand.u32 $0x7F, v44;
	v40 =	vor.u32 v40, v59  }
0x168: {  	v41 =	vcvt.f32.s32 v41;
	v38 =	vor.u32 v45, v38;
	v40 =	vor.u32 v44, v40  }
0x169: {  	v38 =	vor.u32 v39, v38;
	v60 =	vshll.u32 v46, $0x4;
	v36 =	vshll.u32 v36, $0x4;
	v61 =	vld.idx.msk [tilespmem:v47+s17+$0x0], $0xffff  }
0x16a: {  	v41 =	vshll.u32 v41, $0xA;
	v62 =	vor.u32 v0, v36;
	v36 =	vand.u32 $0xFFFFFF80, v36  }
0x16b: {  	v43 =	vld.idx.msk [tilespmem:v43+s17+$0x0], $0xffff;
	v46 =	vor.u32 v0, v60;
	v45 =	vand.u32 $0x7F, v62;
	v36 =	vor.u32 v41, v36  }
0x16c: {  	v39 =	vand.u32 $0xFFFFFF80, v60;
	v35 =	vadd.f32 v42, v35;
	v36 =	vor.u32 v45, v36  }
0x16d: {  	v34 =	vor.u32 v34, v39;
	v63 =	vand.u32 $0x7F, v46;
	v40 =	vld.idx.msk [tilespmem:v40+s17+$0x0], $0xffff  }
0x16e: {  	v34 =	vor.u32 v63, v34;
	v35 =	vadd.f32 v61, v35  }
0x16f: {  	v38 =	vld.idx.msk [tilespmem:v38+s17+$0x0], $0xffff  }
0x170: {  	v33 =	vor.u32 v33, v37;
	v35 =	vadd.f32 v43, v35  }
0x171: {  	v36 =	vld.idx.msk [tilespmem:v36+s17+$0x0], $0xffff  }
0x172: {  	v35 =	vadd.f32 v40, v35  }
0x173: {  	v34 =	vld.idx.msk [tilespmem:v34+s17+$0x0], $0xffff  }
0x174: {  	v35 =	vadd.f32 v38, v35  }
0x175: {  	v33 =	vld.idx.msk [tilespmem:v33+s17+$0x0], $0xffff  }
0x176: {  	s28 =	smul.u32 $0x44, s25;
	s25 =	sadd.s32 $0x1, s25;
	v35 =	vadd.f32 v36, v35  }
0x177: {  	p1 =	sne.s32 s25, $0x10  }
.Ltmp6:
0x178: {  	v34 =	vadd.f32 v34, v35;
	(pc) =	sbr.rel @p1 .LBB2_9-.Ltmp6, $4  }
0x179: {  	_ = 	snop  }
0x17a: {  	v33 =	vadd.f32 v33, v34  }
0x17b: {  	s28 =	sshra.s32 s28, $0x2  }
0x17c: {  	s26 =	sadd.s32 $0x400, s26;
	[tilespmem:s28+$0x10100] =	vst v33  }
0x17d: {  	_ =	sdelay $0x3  }
0x17e: {  	v33 =	vld.idx.msk [tilespmem:v14+s18+$0x0], $0xffff;
	_ =	sdelay $0x1  }
0x17f: {  	v34 =	vld.idx.msk [tilespmem:v18+s18+$0x0], $0xffff;
	_ =	sdelay $0x1  }
0x180: {  	v35 =	vld.idx.msk [tilespmem:v19+s18+$0x0], $0xffff  }
0x181: {  	v33 =	vadd.f32 $0.0e+00, v33  }
0x182: {  	v36 =	vld.idx.msk [tilespmem:v20+s18+$0x0], $0xffff  }
0x183: {  	v33 =	vadd.f32 v34, v33  }
0x184: {  	v52 =	vld.idx.msk [tilespmem:v21+s18+$0x0], $0xffff  }
0x185: {  	v33 =	vadd.f32 v35, v33  }
0x186: {  	v53 =	vld.idx.msk [tilespmem:v22+s18+$0x0], $0xffff  }
0x187: {  	v33 =	vadd.f32 v36, v33  }
0x188: {  	v54 =	vld.idx.msk [tilespmem:v23+s18+$0x0], $0xffff  }
0x189: {  	v33 =	vadd.f32 v52, v33  }
0x18a: {  	v55 =	vld.idx.msk [tilespmem:v24+s18+$0x0], $0xffff  }
0x18b: {  	v33 =	vadd.f32 v53, v33  }
0x18c: {  	v56 =	vld.idx.msk [tilespmem:v25+s18+$0x0], $0xffff  }
0x18d: {  	v33 =	vadd.f32 v54, v33  }
0x18e: {  	v57 =	vld.idx.msk [tilespmem:v26+s18+$0x0], $0xffff  }
0x18f: {  	v33 =	vadd.f32 v55, v33  }
0x190: {  	v58 =	vld.idx.msk [tilespmem:v27+s18+$0x0], $0xffff  }
0x191: {  	v33 =	vadd.f32 v56, v33  }
0x192: {  	v59 =	vld.idx.msk [tilespmem:v28+s18+$0x0], $0xffff  }
0x193: {  	v33 =	vadd.f32 v57, v33  }
0x194: {  	v60 =	vld.idx.msk [tilespmem:v29+s18+$0x0], $0xffff  }
0x195: {  	v33 =	vadd.f32 v58, v33  }
0x196: {  	v61 =	vld.idx.msk [tilespmem:v30+s18+$0x0], $0xffff  }
0x197: {  	v33 =	vadd.f32 v59, v33  }
0x198: {  	v62 =	vld.idx.msk [tilespmem:v31+s18+$0x0], $0xffff  }
0x199: {  	v33 =	vadd.f32 v60, v33  }
0x19a: {  	v63 =	vld.idx.msk [tilespmem:v32+s18+$0x0], $0xffff  }
0x19b: {  	v33 =	vadd.f32 v61, v33;
	_ =	sdelay $0x1  }
.Ltmp7:
0x19c: {  	v33 =	vadd.f32 v62, v33;
	(pc) =	sbr.rel @p0 .LBB2_14-.Ltmp7, $3  }
0x19d: {  	_ = 	snop  }
0x19e: {  	v33 =	vadd.f32 v63, v33;
	_ =	sdelay $0x1  }
0x19f: {  	[tilespmem:s24+$0x18290] =	vst v33  }
.Ltmp8:
0x1a0: {  	(pc) =	sbr.rel .LBB2_4-.Ltmp8, $4  }
0x1a1: {  	s23 =	sadd.s32 s23, s9  }
0x1a2: {  	s23 =	sshrl.u32 s23, $0x3  }
0x1a3: {  	s22 =	sadd.s32 $0x1, s22;
	s23 =	sadd.s32 s1, s23  }
0x1a4: {  	[tilespmem:s15], [sflag:$0x2] =	stream.linear.gather [hbm4b:s23+s5], $0x4000, $0x38;
	[tilespmem:$0x18380] =	vst v63  }
.LBB2_15:
0x1a5: {  	_ =	sfence.sel $0x180000  }
0x1a6: {  	[bflag:$0x0] =	sbarrier.arrive $0xFFFF  }
0x1a7: {  	p0 =	sne.s32 s0, $0x0;
	_ =	strace $0x90000047  }
0x1a8: {  	s0 =	sadd.s32 @!p0 $0x100000, s4;
	[bflag:$0x2] =	sbarrier.arrive $0xFFFF  }
0x1a9: {  	[sflag:s0] =	ssyncadd.tile.s32 @!p0 $0x1;
	_ =	shalt  }
.Lfunc_end2:
_tile_overlayer_lowered:
.L_overlay_start_2:
0x1aa: {  	(tag) =	ssettag $0x2  }
0x1ab: {  	s0 =	rddreg [dreg:$0x0];
	s2 =	stileid.u32  }
0x1ac: {  	s1 =	rddreg [dreg:$0x1];
	p0 =	sne.s32 s2, $0x0  }
0x1ad: {  	s3 =	rddreg [dreg:$0x2];
	[bflag:$0x3] =	sbarrier.arrive $0xFFFF;
	s2 =	simm.s32 @!p0 $0x1C03  }
0x1ae: {  	[timem:s3], [sflag:s2] =	dma.local @!p0 [hbm:s0], s1  }
0x1af: {  	s0 =	simm.s32 @!p0 $0x3  }
0x1b0: {  	_ =	swait.ge @!p0 [sflag:s0], s1  }
0x1b1: {  	s1 =	ssub.s32 @!p0 $0x0, s1;
	[sflag:s0] =	ssyncset.done @!p0 $0x0  }
0x1b2: {  	[sflag:s0] =	ssyncadd.s32 @!p0 s1  }
0x1b3: {  	[bflag:$0x3] =	sbarrier.arrive $0xFFFF  }
0x1b4: {  	_ =	shalt  }

</sc_bundles>
